<compile_context>
chip_gen: v7x
topology: tpu7x:2x2x1
jax: 0.10.2.dev20260603
libtpu: 0.0.44.dev20260713+nightly
codegen_flags: <defaults>
</compile_context>

<pallas_src>
import functools

import jax
import jax.numpy as jnp
from jax import lax
from jax.experimental import pallas as pl
from jax.experimental.pallas import tpu as pltpu
from jax.experimental.pallas import tpu_sc as plsc

N = 10000
E = 320000
D = 128
D_OUT = 16

NC = 2
NS = 16
NW = NC * NS
EPW = E // NW
K = 100
NCH = EPW // K
NPAD = 10240
RPT = NPAD // NS

_MESH = plsc.VectorSubcoreMesh(core_axis_name="c", subcore_axis_name="s")
_PART = jax.ShapeDtypeStruct((NC, NPAD, D), jnp.float32)


@functools.partial(
    pl.kernel, mesh=_MESH, out_type=[_PART],
    scratch_types=[
        pltpu.VMEM((NCH, K), jnp.int32),
        pltpu.VMEM((NCH, K), jnp.int32),
        pltpu.VMEM((K, D), jnp.float32),
        pltpu.VMEM_SHARED((NPAD, D), jnp.float32),
        pltpu.SemaphoreType.DMA,
    ])
def _sc_agg(h_hbm, src_hbm, dst_hbm, z_hbm, agg_out,
            srcv, dstv, rows0, agg_sh, sem0):
  c = lax.axis_index("c")
  s = lax.axis_index("s")
  wid = s * NC + c
  row0 = s * RPT

  pltpu.sync_copy(src_hbm.at[wid], srcv)
  pltpu.sync_copy(dst_hbm.at[wid], dstv)
  pltpu.sync_copy(z_hbm, agg_sh.at[pl.ds(row0, RPT)])
  plsc.subcore_barrier()

  def step(i, carry):
    pltpu.async_copy(h_hbm.at[srcv.at[i]], rows0, sem0).wait()
    pltpu.sync_copy(rows0, agg_sh.at[dstv.at[i]], add=True)
    return carry

  lax.fori_loop(0, NCH, step, 0)
  plsc.subcore_barrier()

  pltpu.sync_copy(agg_sh.at[pl.ds(row0, RPT)],
                  agg_out.at[c, pl.ds(row0, RPT)])


@functools.partial(
    pl.kernel, mesh=_MESH, out_type=[_PART],
    scratch_types=[
        pltpu.VMEM((NCH, K), jnp.int32),
        pltpu.VMEM((K, D), jnp.float32),
        pltpu.VMEM_SHARED((NPAD, D), jnp.float32),
    ])
def _sc_cnt(dst_hbm, ones_hbm, z_hbm, cnt_out, dstv, onesv, cnt_sh):
  c = lax.axis_index("c")
  s = lax.axis_index("s")
  wid = s * NC + c
  row0 = s * RPT

  pltpu.sync_copy(dst_hbm.at[wid], dstv)
  pltpu.sync_copy(ones_hbm, onesv)
  pltpu.sync_copy(z_hbm, cnt_sh.at[pl.ds(row0, RPT)])
  plsc.subcore_barrier()

  def step(i, carry):
    pltpu.sync_copy(onesv, cnt_sh.at[dstv.at[i]], add=True)
    return carry

  lax.fori_loop(0, NCH, step, 0)
  plsc.subcore_barrier()
  pltpu.sync_copy(cnt_sh.at[pl.ds(row0, RPT)],
                  cnt_out.at[c, pl.ds(row0, RPT)])


BN = 1000


def _tc_mid_body(h_ref, a0_ref, a1_ref, c0_ref, c1_ref, wl_ref, wr_ref,
                 b_ref, out_ref):
  agg = a0_ref[...] + a1_ref[...]
  cnt = c0_ref[...] + c1_ref[...]
  inv = 1.0 / jnp.maximum(cnt[:, 0:1], 1.0)
  mean = agg * inv
  acc = jnp.dot(mean, wl_ref[...], preferred_element_type=jnp.float32)
  acc += jnp.dot(h_ref[...], wr_ref[...], preferred_element_type=jnp.float32)
  acc += b_ref[...]
  out_ref[...] = jnp.maximum(acc, 0.0)


def _tc_final_body(h_ref, a0_ref, a1_ref, c0_ref, c1_ref, wl_ref, wr_ref,
                   b_ref, wfc_ref, bfc_ref, emb_ref, logp_ref):
  agg = a0_ref[...] + a1_ref[...]
  cnt = c0_ref[...] + c1_ref[...]
  inv = 1.0 / jnp.maximum(cnt[:, 0:1], 1.0)
  mean = agg * inv
  emb = jnp.dot(mean, wl_ref[...], preferred_element_type=jnp.float32)
  emb += jnp.dot(h_ref[...], wr_ref[...], preferred_element_type=jnp.float32)
  emb += b_ref[...]
  emb_ref[...] = emb
  y = jnp.dot(emb, wfc_ref[...], preferred_element_type=jnp.float32)
  y += bfc_ref[...]
  m = jnp.max(y, axis=1, keepdims=True)
  lse = m + jnp.log(jnp.sum(jnp.exp(y - m), axis=1, keepdims=True))
  logp_ref[...] = y - lse


def _row_spec(width):
  return pl.BlockSpec((BN, width), lambda i: (i, 0))


def _full_spec(rows, width):
  return pl.BlockSpec((rows, width), lambda i: (0, 0))


def _tc_mid(h, a0, a1, c0, c1, wl, wr, b):
  return pl.pallas_call(
      _tc_mid_body,
      grid=(N // BN,),
      in_specs=[
          _row_spec(D), _row_spec(D), _row_spec(D),
          _row_spec(D), _row_spec(D),
          _full_spec(D, D), _full_spec(D, D), _full_spec(1, D),
      ],
      out_specs=_row_spec(D),
      out_shape=jax.ShapeDtypeStruct((N, D), jnp.float32),
  )(h, a0, a1, c0, c1, wl, wr, b)


def _tc_final(h, a0, a1, c0, c1, wl, wr, b, wfc, bfc):
  return pl.pallas_call(
      _tc_final_body,
      grid=(N // BN,),
      in_specs=[
          _row_spec(D), _row_spec(D), _row_spec(D),
          _row_spec(D), _row_spec(D),
          _full_spec(D, D), _full_spec(D, D), _full_spec(1, D),
          _full_spec(D, D_OUT), _full_spec(1, D_OUT),
      ],
      out_specs=[_row_spec(D), _row_spec(D_OUT)],
      out_shape=[
          jax.ShapeDtypeStruct((N, D), jnp.float32),
          jax.ShapeDtypeStruct((N, D_OUT), jnp.float32),
      ],
  )(h, a0, a1, c0, c1, wl, wr, b, wfc, bfc)


@jax.jit
def kernel(x, edge_index, Wl0, Wr0, b0, Wl1, Wr1, b1, Wl2, Wr2, b2, Wfc, bfc):
  src = edge_index[0].reshape(NW, NCH, K)
  dst = edge_index[1].reshape(NW, NCH, K)
  zeros = jnp.zeros((RPT, D), jnp.float32)
  ones = jnp.ones((K, D), jnp.float32)
  b0r = b0.reshape(1, D)
  b1r = b1.reshape(1, D)
  b2r = b2.reshape(1, D)
  bfcr = bfc.reshape(1, D_OUT)

  (cnt,) = _sc_cnt(dst, ones, zeros)
  c0 = cnt[0]
  c1 = cnt[1]
  (agg0,) = _sc_agg(x, src, dst, zeros)
  h1 = _tc_mid(x, agg0[0], agg0[1], c0, c1, Wl0, Wr0, b0r)
  (agg1,) = _sc_agg(h1, src, dst, zeros)
  h2 = _tc_mid(h1, agg1[0], agg1[1], c0, c1, Wl1, Wr1, b1r)
  (agg2,) = _sc_agg(h2, src, dst, zeros)
  emb, logp = _tc_final(h2, agg2[0], agg2[1], c0, c1, Wl2, Wr2, b2r,
                        Wfc, bfcr)
  return (emb, logp)

# --- scband reference (transcript-rebuilt; emitter-appended) ---
"""Pipeline reference for scband-graph-sage-batch-56264071578144 (READ-ONLY COPY).

The authoritative reference and input builder live on the scoring server;
editing this copy changes nothing except your own understanding.
"""

import jax, jax.numpy as jnp
import numpy as np

N = 10000
E = 320000
D_IN = 128
D_HID = 128
D_EMB = 128
D_OUT = 16


def _glorot(key, shape):
    fan_in, fan_out = shape[0], shape[1]
    limit = np.sqrt(6.0 / (fan_in + fan_out))
    return jax.random.uniform(key, shape, dtype=jnp.float32, minval=-limit, maxval=limit)


def setup_inputs(seed: int = 0) -> dict:
    key = jax.random.key(seed)
    ks = jax.random.split(key, 13)
    x = jax.random.normal(ks[0], (N, D_IN), dtype=jnp.float32)
    edge_index = jax.random.randint(ks[1], (2, E), 0, N, dtype=jnp.int32)
    # SAGEConv params: lin_l (neighbor aggregation) and lin_r (root/self) per layer, plus bias
    Wl0 = _glorot(ks[2], (D_IN, D_HID)); Wr0 = _glorot(ks[3], (D_IN, D_HID)); b0 = jnp.zeros((D_HID,), jnp.float32)
    Wl1 = _glorot(ks[4], (D_HID, D_HID)); Wr1 = _glorot(ks[5], (D_HID, D_HID)); b1 = jnp.zeros((D_HID,), jnp.float32)
    Wl2 = _glorot(ks[6], (D_HID, D_EMB)); Wr2 = _glorot(ks[7], (D_HID, D_EMB)); b2 = jnp.zeros((D_EMB,), jnp.float32)
    Wfc = _glorot(ks[8], (D_EMB, D_OUT)); bfc = jnp.zeros((D_OUT,), jnp.float32)
    return {"x": x, "edge_index": edge_index,
            "Wl0": Wl0, "Wr0": Wr0, "b0": b0,
            "Wl1": Wl1, "Wr1": Wr1, "b1": b1,
            "Wl2": Wl2, "Wr2": Wr2, "b2": b2,
            "Wfc": Wfc, "bfc": bfc}


def _sage_conv(x, Wl, Wr, b, src, dst, n_nodes):
    # PyG SAGEConv with default mean aggregation:
    # out = lin_l(mean_{j in N(i)} x_j) + lin_r(x_i) + bias
    msg = x[src]  # gather source-node features per edge
    agg = jax.ops.segment_sum(msg, dst, num_segments=n_nodes)
    cnt = jax.ops.segment_sum(jnp.ones((src.shape[0], 1), jnp.float32), dst, num_segments=n_nodes)
    mean = jnp.where(cnt > 0, agg / jnp.maximum(cnt, 1.0), 0.0)
    return mean @ Wl + x @ Wr + b


def reference(x, edge_index, Wl0, Wr0, b0, Wl1, Wr1, b1, Wl2, Wr2, b2, Wfc, bfc):
    src = edge_index[0]
    dst = edge_index[1]
    # layer 1 (+relu; dropout is identity in eval mode)
    h = jax.nn.relu(_sage_conv(x, Wl0, Wr0, b0, src, dst, N))
    # layer 2 (+relu)
    h = jax.nn.relu(_sage_conv(h, Wl1, Wr1, b1, src, dst, N))
    # final SAGE layer (no activation)
    emb = _sage_conv(h, Wl2, Wr2, b2, src, dst, N)
    y = emb @ Wfc + bfc
    logp = jax.nn.log_softmax(y, axis=1)
    return (emb, logp)

if __name__ == "__main__":
    import jax
    _d = setup_inputs()
    print(jax.jit(kernel)(*tuple(_d.values())))

</pallas_src>

<mosaic_0001>
#map = affine_map<(d0, d1) -> (0, 0)>
#map1 = affine_map<(d0, d1) -> (0, 0, 0)>
module attributes {stable_mosaic.version = 14 : i64} {
  func.func @_sc_agg(%arg0: i32, %arg1: i32, %arg2: memref<10000x128xf32, #tpu.memory_space<hbm>>, %arg3: memref<32x100x100xi32, #tpu.memory_space<hbm>>, %arg4: memref<32x100x100xi32, #tpu.memory_space<hbm>>, %arg5: memref<640x128xf32, #tpu.memory_space<hbm>>, %arg6: memref<2x10240x128xf32, #tpu.memory_space<hbm>>, %arg7: memref<100x100xi32, #tpu.memory_space<vmem>>, %arg8: memref<100x100xi32, #tpu.memory_space<vmem>>, %arg9: memref<100x128xf32, #tpu.memory_space<vmem>>, %arg10: memref<10240x128xf32, #tpu.memory_space<vmem_shared>>, %arg11: memref<!tpu.dma_semaphore, #tpu.memory_space<semaphore_mem>>) attributes {dimension_semantics = [#tpu.dimension_semantics<core_parallel>, #tpu.dimension_semantics<subcore_parallel>], iteration_bounds = array<i64: 2, 16>, scalar_prefetch = 0 : i64, scratch_operands = 5 : i64, tpu.core_type = #tpu.core_type<sc_vector_subcore>, window_params = [{transform_indices = #map}, {transform_indices = #map1}, {transform_indices = #map1}, {transform_indices = #map}, {transform_indices = #map1}]} {
    %mul3A = arith.constant 2 : i32
    %mul3A_0 = arith.muli %arg1, %mul3A : i32
    %add3A = arith.addi %mul3A_0, %arg0 : i32
    %mul3A_1 = arith.constant 640 : i32
    %mul3A_2 = arith.muli %arg1, %mul3A_1 : i32
    "tpu.region"() ({
      %run_scoped3A = tpu.sem_alloc : memref<!tpu.dma_semaphore, #tpu.memory_space<semaphore_mem>>
      %dma_start3A = arith.constant 0 : i32
      %dma_start3A_9 = arith.constant 0 : i32
      %dma_start3A_10 = tpu.memref_slice %arg3[%add3A, %dma_start3A, %dma_start3A_9] : memref<32x100x100xi32, #tpu.memory_space<hbm>> -> memref<1x100x100xi32, #tpu.memory_space<hbm>>
      %dma_start3A_11 = tpu.memref_squeeze %dma_start3A_10 : memref<1x100x100xi32, #tpu.memory_space<hbm>> -> memref<100x100xi32, #tpu.memory_space<hbm>>
      %dma_start3A_12 = arith.constant 0 : i32
      %dma_start3A_13 = arith.constant 0 : i32
      %dma_start3A_14 = tpu.memref_slice %arg3[%add3A, %dma_start3A_12, %dma_start3A_13] : memref<32x100x100xi32, #tpu.memory_space<hbm>> -> memref<1x100x100xi32, #tpu.memory_space<hbm>>
      %dma_start3A_15 = tpu.memref_squeeze %dma_start3A_14 : memref<1x100x100xi32, #tpu.memory_space<hbm>> -> memref<100x100xi32, #tpu.memory_space<hbm>>
      tpu.enqueue_dma source(%dma_start3A_15 : memref<100x100xi32, #tpu.memory_space<hbm>>) target(%arg7 : memref<100x100xi32, #tpu.memory_space<vmem>>) target_semaphore(%run_scoped3A : memref<!tpu.dma_semaphore, #tpu.memory_space<semaphore_mem>>)
      %dma_wait3A = arith.constant 0 : i32
      %dma_wait3A_16 = arith.constant 0 : i32
      %dma_wait3A_17 = tpu.memref_slice %arg3[%add3A, %dma_wait3A, %dma_wait3A_16] : memref<32x100x100xi32, #tpu.memory_space<hbm>> -> memref<1x100x100xi32, #tpu.memory_space<hbm>>
      %dma_wait3A_18 = tpu.memref_squeeze %dma_wait3A_17 : memref<1x100x100xi32, #tpu.memory_space<hbm>> -> memref<100x100xi32, #tpu.memory_space<hbm>>
      %dma_wait3A_19 = arith.constant 0 : i32
      %dma_wait3A_20 = arith.constant 0 : i32
      %dma_wait3A_21 = tpu.memref_slice %arg3[%add3A, %dma_wait3A_19, %dma_wait3A_20] : memref<32x100x100xi32, #tpu.memory_space<hbm>> -> memref<1x100x100xi32, #tpu.memory_space<hbm>>
      %dma_wait3A_22 = tpu.memref_squeeze %dma_wait3A_21 : memref<1x100x100xi32, #tpu.memory_space<hbm>> -> memref<100x100xi32, #tpu.memory_space<hbm>>
      tpu.wait_dma2 semaphore(%run_scoped3A : memref<!tpu.dma_semaphore, #tpu.memory_space<semaphore_mem>>) src(%dma_wait3A_22 : memref<100x100xi32, #tpu.memory_space<hbm>>) dst(%arg7 : memref<100x100xi32, #tpu.memory_space<vmem>>)
      tpu.yield
    }) : () -> ()
    "tpu.region"() ({
      %run_scoped3A = tpu.sem_alloc : memref<!tpu.dma_semaphore, #tpu.memory_space<semaphore_mem>>
      %dma_start3A = arith.constant 0 : i32
      %dma_start3A_9 = arith.constant 0 : i32
      %dma_start3A_10 = tpu.memref_slice %arg4[%add3A, %dma_start3A, %dma_start3A_9] : memref<32x100x100xi32, #tpu.memory_space<hbm>> -> memref<1x100x100xi32, #tpu.memory_space<hbm>>
      %dma_start3A_11 = tpu.memref_squeeze %dma_start3A_10 : memref<1x100x100xi32, #tpu.memory_space<hbm>> -> memref<100x100xi32, #tpu.memory_space<hbm>>
      %dma_start3A_12 = arith.constant 0 : i32
      %dma_start3A_13 = arith.constant 0 : i32
      %dma_start3A_14 = tpu.memref_slice %arg4[%add3A, %dma_start3A_12, %dma_start3A_13] : memref<32x100x100xi32, #tpu.memory_space<hbm>> -> memref<1x100x100xi32, #tpu.memory_space<hbm>>
      %dma_start3A_15 = tpu.memref_squeeze %dma_start3A_14 : memref<1x100x100xi32, #tpu.memory_space<hbm>> -> memref<100x100xi32, #tpu.memory_space<hbm>>
      tpu.enqueue_dma source(%dma_start3A_15 : memref<100x100xi32, #tpu.memory_space<hbm>>) target(%arg8 : memref<100x100xi32, #tpu.memory_space<vmem>>) target_semaphore(%run_scoped3A : memref<!tpu.dma_semaphore, #tpu.memory_space<semaphore_mem>>)
      %dma_wait3A = arith.constant 0 : i32
      %dma_wait3A_16 = arith.constant 0 : i32
      %dma_wait3A_17 = tpu.memref_slice %arg4[%add3A, %dma_wait3A, %dma_wait3A_16] : memref<32x100x100xi32, #tpu.memory_space<hbm>> -> memref<1x100x100xi32, #tpu.memory_space<hbm>>
      %dma_wait3A_18 = tpu.memref_squeeze %dma_wait3A_17 : memref<1x100x100xi32, #tpu.memory_space<hbm>> -> memref<100x100xi32, #tpu.memory_space<hbm>>
      %dma_wait3A_19 = arith.constant 0 : i32
      %dma_wait3A_20 = arith.constant 0 : i32
      %dma_wait3A_21 = tpu.memref_slice %arg4[%add3A, %dma_wait3A_19, %dma_wait3A_20] : memref<32x100x100xi32, #tpu.memory_space<hbm>> -> memref<1x100x100xi32, #tpu.memory_space<hbm>>
      %dma_wait3A_22 = tpu.memref_squeeze %dma_wait3A_21 : memref<1x100x100xi32, #tpu.memory_space<hbm>> -> memref<100x100xi32, #tpu.memory_space<hbm>>
      tpu.wait_dma2 semaphore(%run_scoped3A : memref<!tpu.dma_semaphore, #tpu.memory_space<semaphore_mem>>) src(%dma_wait3A_22 : memref<100x100xi32, #tpu.memory_space<hbm>>) dst(%arg8 : memref<100x100xi32, #tpu.memory_space<vmem>>)
      tpu.yield
    }) : () -> ()
    "tpu.region"() ({
      %run_scoped3A = tpu.sem_alloc : memref<!tpu.dma_semaphore, #tpu.memory_space<semaphore_mem>>
      %dma_start3A = arith.constant 0 : i32
      %dma_start3A_9 = tpu.memref_slice %arg10[%mul3A_2, %dma_start3A] : memref<10240x128xf32, #tpu.memory_space<vmem_shared>> -> memref<640x128xf32, #tpu.memory_space<vmem_shared>>
      tpu.enqueue_dma source(%arg5 : memref<640x128xf32, #tpu.memory_space<hbm>>) target(%dma_start3A_9 : memref<640x128xf32, #tpu.memory_space<vmem_shared>>) target_semaphore(%run_scoped3A : memref<!tpu.dma_semaphore, #tpu.memory_space<semaphore_mem>>)
      %dma_wait3A = arith.constant 0 : i32
      %dma_wait3A_10 = tpu.memref_slice %arg10[%mul3A_2, %dma_wait3A] : memref<10240x128xf32, #tpu.memory_space<vmem_shared>> -> memref<640x128xf32, #tpu.memory_space<vmem_shared>>
      tpu.wait_dma2 semaphore(%run_scoped3A : memref<!tpu.dma_semaphore, #tpu.memory_space<semaphore_mem>>) src(%arg5 : memref<640x128xf32, #tpu.memory_space<hbm>>) dst(%dma_wait3A_10 : memref<640x128xf32, #tpu.memory_space<vmem_shared>>)
      tpu.yield
    }) : () -> ()
    %barrier3A = arith.constant 0 : index
    tpu.barrier barrier_id(%barrier3A)
    %scan3A = arith.constant 0 : i32
    %scan3A_3 = arith.constant 0 : i32
    %scan3A_4 = arith.constant 100 : i32
    %scan3A_5 = arith.addi %scan3A_3, %scan3A_4 : i32
    %scan3A_6 = arith.constant 1 : i32
    scf.for %scan3A_9 = %scan3A_3 to %scan3A_5 step %scan3A_6  : i32 {
      %dma_start3A = arith.constant 0 : i32
      %dma_start3A_10 = tpu.memref_slice %arg7[%scan3A_9, %dma_start3A] : memref<100x100xi32, #tpu.memory_space<vmem>> -> memref<1x100xi32, #tpu.memory_space<vmem>>
      %dma_start3A_11 = tpu.memref_squeeze %dma_start3A_10 : memref<1x100xi32, #tpu.memory_space<vmem>> -> memref<100xi32, #tpu.memory_space<vmem>>
      %dma_start3A_12 = arith.constant 0 : i32
      %dma_start3A_13 = arith.constant 0 : i32
      %dma_start3A_14 = tpu.memref_slice %arg2[%dma_start3A_12, %dma_start3A_13] : memref<10000x128xf32, #tpu.memory_space<hbm>> -> memref<10000x128xf32, #tpu.memory_space<hbm>>
      tpu.enqueue_indirect_dma source(%dma_start3A_14 : memref<10000x128xf32, #tpu.memory_space<hbm>>) target(%arg9 : memref<100x128xf32, #tpu.memory_space<vmem>>) offsets(%dma_start3A_11 : memref<100xi32, #tpu.memory_space<vmem>>) semaphore(%arg11 : memref<!tpu.dma_semaphore, #tpu.memory_space<semaphore_mem>>)
      %dma_wait3A = arith.constant 0 : i32
      %dma_wait3A_15 = tpu.memref_slice %arg7[%scan3A_9, %dma_wait3A] : memref<100x100xi32, #tpu.memory_space<vmem>> -> memref<1x100xi32, #tpu.memory_space<vmem>>
      %dma_wait3A_16 = tpu.memref_squeeze %dma_wait3A_15 : memref<1x100xi32, #tpu.memory_space<vmem>> -> memref<100xi32, #tpu.memory_space<vmem>>
      %dma_wait3A_17 = arith.constant 0 : i32
      %dma_wait3A_18 = arith.constant 0 : i32
      %dma_wait3A_19 = tpu.memref_slice %arg2[%dma_wait3A_17, %dma_wait3A_18] : memref<10000x128xf32, #tpu.memory_space<hbm>> -> memref<10000x128xf32, #tpu.memory_space<hbm>>
      tpu.wait_indirect_dma semaphore(%arg11 : memref<!tpu.dma_semaphore, #tpu.memory_space<semaphore_mem>>) src(%dma_wait3A_19 : memref<10000x128xf32, #tpu.memory_space<hbm>>) dst(%arg9 : memref<100x128xf32, #tpu.memory_space<vmem>>)
      "tpu.region"() ({
        %run_scoped3A = tpu.sem_alloc : memref<!tpu.dma_semaphore, #tpu.memory_space<semaphore_mem>>
        %dma_start3A_20 = arith.constant 0 : i32
        %dma_start3A_21 = tpu.memref_slice %arg8[%scan3A_9, %dma_start3A_20] : memref<100x100xi32, #tpu.memory_space<vmem>> -> memref<1x100xi32, #tpu.memory_space<vmem>>
        %dma_start3A_22 = tpu.memref_squeeze %dma_start3A_21 : memref<1x100xi32, #tpu.memory_space<vmem>> -> memref<100xi32, #tpu.memory_space<vmem>>
        %dma_start3A_23 = arith.constant 0 : i32
        %dma_start3A_24 = arith.constant 0 : i32
        %dma_start3A_25 = tpu.memref_slice %arg10[%dma_start3A_23, %dma_start3A_24] : memref<10240x128xf32, #tpu.memory_space<vmem_shared>> -> memref<10240x128xf32, #tpu.memory_space<vmem_shared>>
        tpu.enqueue_indirect_dma source(%arg9 : memref<100x128xf32, #tpu.memory_space<vmem>>) target(%dma_start3A_25 : memref<10240x128xf32, #tpu.memory_space<vmem_shared>>) offsets(%dma_start3A_22 : memref<100xi32, #tpu.memory_space<vmem>>) semaphore(%run_scoped3A : memref<!tpu.dma_semaphore, #tpu.memory_space<semaphore_mem>>) {add = true}
        %dma_wait3A_26 = arith.constant 0 : i32
        %dma_wait3A_27 = tpu.memref_slice %arg8[%scan3A_9, %dma_wait3A_26] : memref<100x100xi32, #tpu.memory_space<vmem>> -> memref<1x100xi32, #tpu.memory_space<vmem>>
        %dma_wait3A_28 = tpu.memref_squeeze %dma_wait3A_27 : memref<1x100xi32, #tpu.memory_space<vmem>> -> memref<100xi32, #tpu.memory_space<vmem>>
        %dma_wait3A_29 = arith.constant 0 : i32
        %dma_wait3A_30 = arith.constant 0 : i32
        %dma_wait3A_31 = tpu.memref_slice %arg10[%dma_wait3A_29, %dma_wait3A_30] : memref<10240x128xf32, #tpu.memory_space<vmem_shared>> -> memref<10240x128xf32, #tpu.memory_space<vmem_shared>>
        tpu.wait_indirect_dma semaphore(%run_scoped3A : memref<!tpu.dma_semaphore, #tpu.memory_space<semaphore_mem>>) src(%arg9 : memref<100x128xf32, #tpu.memory_space<vmem>>) dst(%dma_wait3A_31 : memref<10240x128xf32, #tpu.memory_space<vmem_shared>>)
        tpu.yield
      }) : () -> ()
    }
    %scan3A_7 = arith.constant 100 : i32
    %barrier3A_8 = arith.constant 0 : index
    tpu.barrier barrier_id(%barrier3A_8)
    "tpu.region"() ({
      %run_scoped3A = tpu.sem_alloc : memref<!tpu.dma_semaphore, #tpu.memory_space<semaphore_mem>>
      %dma_start3A = arith.constant 0 : i32
      %dma_start3A_9 = tpu.memref_slice %arg6[%arg0, %mul3A_2, %dma_start3A] : memref<2x10240x128xf32, #tpu.memory_space<hbm>> -> memref<1x640x128xf32, #tpu.memory_space<hbm>>
      %dma_start3A_10 = tpu.memref_squeeze %dma_start3A_9 : memref<1x640x128xf32, #tpu.memory_space<hbm>> -> memref<640x128xf32, #tpu.memory_space<hbm>>
      %dma_start3A_11 = arith.constant 0 : i32
      %dma_start3A_12 = tpu.memref_slice %arg10[%mul3A_2, %dma_start3A_11] : memref<10240x128xf32, #tpu.memory_space<vmem_shared>> -> memref<640x128xf32, #tpu.memory_space<vmem_shared>>
      tpu.enqueue_dma source(%dma_start3A_12 : memref<640x128xf32, #tpu.memory_space<vmem_shared>>) target(%dma_start3A_10 : memref<640x128xf32, #tpu.memory_space<hbm>>) target_semaphore(%run_scoped3A : memref<!tpu.dma_semaphore, #tpu.memory_space<semaphore_mem>>)
      %dma_wait3A = arith.constant 0 : i32
      %dma_wait3A_13 = tpu.memref_slice %arg6[%arg0, %mul3A_2, %dma_wait3A] : memref<2x10240x128xf32, #tpu.memory_space<hbm>> -> memref<1x640x128xf32, #tpu.memory_space<hbm>>
      %dma_wait3A_14 = tpu.memref_squeeze %dma_wait3A_13 : memref<1x640x128xf32, #tpu.memory_space<hbm>> -> memref<640x128xf32, #tpu.memory_space<hbm>>
      %dma_wait3A_15 = arith.constant 0 : i32
      %dma_wait3A_16 = tpu.memref_slice %arg10[%mul3A_2, %dma_wait3A_15] : memref<10240x128xf32, #tpu.memory_space<vmem_shared>> -> memref<640x128xf32, #tpu.memory_space<vmem_shared>>
      tpu.wait_dma2 semaphore(%run_scoped3A : memref<!tpu.dma_semaphore, #tpu.memory_space<semaphore_mem>>) src(%dma_wait3A_16 : memref<640x128xf32, #tpu.memory_space<vmem_shared>>) dst(%dma_wait3A_14 : memref<640x128xf32, #tpu.memory_space<hbm>>)
      tpu.yield
    }) : () -> ()
    return
  }
}

#map = affine_map<(d0, d1) -> (0, 0)>
#map1 = affine_map<(d0, d1) -> (0, 0, 0)>
module attributes {stable_mosaic.version = 14 : i64} {
  func.func @_sc_agg(%arg0: i32, %arg1: i32, %arg2: memref<10000x128xf32, #tpu.memory_space<hbm>>, %arg3: memref<32x100x100xi32, #tpu.memory_space<hbm>>, %arg4: memref<32x100x100xi32, #tpu.memory_space<hbm>>, %arg5: memref<640x128xf32, #tpu.memory_space<hbm>>, %arg6: memref<2x10240x128xf32, #tpu.memory_space<hbm>>, %arg7: memref<100x100xi32, #tpu.memory_space<vmem>>, %arg8: memref<100x100xi32, #tpu.memory_space<vmem>>, %arg9: memref<100x128xf32, #tpu.memory_space<vmem>>, %arg10: memref<10240x128xf32, #tpu.memory_space<vmem_shared>>, %arg11: memref<!tpu.dma_semaphore, #tpu.memory_space<semaphore_mem>>) attributes {dimension_semantics = [#tpu.dimension_semantics<core_parallel>, #tpu.dimension_semantics<subcore_parallel>], iteration_bounds = array<i64: 2, 16>, scalar_prefetch = 0 : i64, scratch_operands = 5 : i64, tpu.core_type = #tpu.core_type<sc_vector_subcore>, window_params = [{transform_indices = #map}, {transform_indices = #map1}, {transform_indices = #map1}, {transform_indices = #map}, {transform_indices = #map1}]} {
    %mul3A = arith.constant 2 : i32
    %mul3A_0 = arith.muli %arg1, %mul3A : i32
    %add3A = arith.addi %mul3A_0, %arg0 : i32
    %mul3A_1 = arith.constant 640 : i32
    %mul3A_2 = arith.muli %arg1, %mul3A_1 : i32
    "tpu.region"() ({
      %run_scoped3A = tpu.sem_alloc : memref<!tpu.dma_semaphore, #tpu.memory_space<semaphore_mem>>
      %dma_start3A = arith.constant 0 : i32
      %dma_start3A_9 = arith.constant 0 : i32
      %dma_start3A_10 = tpu.memref_slice %arg3[%add3A, %dma_start3A, %dma_start3A_9] : memref<32x100x100xi32, #tpu.memory_space<hbm>> -> memref<1x100x100xi32, #tpu.memory_space<hbm>>
      %dma_start3A_11 = tpu.memref_squeeze %dma_start3A_10 : memref<1x100x100xi32, #tpu.memory_space<hbm>> -> memref<100x100xi32, #tpu.memory_space<hbm>>
      %dma_start3A_12 = arith.constant 0 : i32
      %dma_start3A_13 = arith.constant 0 : i32
      %dma_start3A_14 = tpu.memref_slice %arg3[%add3A, %dma_start3A_12, %dma_start3A_13] : memref<32x100x100xi32, #tpu.memory_space<hbm>> -> memref<1x100x100xi32, #tpu.memory_space<hbm>>
      %dma_start3A_15 = tpu.memref_squeeze %dma_start3A_14 : memref<1x100x100xi32, #tpu.memory_space<hbm>> -> memref<100x100xi32, #tpu.memory_space<hbm>>
      tpu.enqueue_dma source(%dma_start3A_15 : memref<100x100xi32, #tpu.memory_space<hbm>>) target(%arg7 : memref<100x100xi32, #tpu.memory_space<vmem>>) target_semaphore(%run_scoped3A : memref<!tpu.dma_semaphore, #tpu.memory_space<semaphore_mem>>)
      %dma_wait3A = arith.constant 0 : i32
      %dma_wait3A_16 = arith.constant 0 : i32
      %dma_wait3A_17 = tpu.memref_slice %arg3[%add3A, %dma_wait3A, %dma_wait3A_16] : memref<32x100x100xi32, #tpu.memory_space<hbm>> -> memref<1x100x100xi32, #tpu.memory_space<hbm>>
      %dma_wait3A_18 = tpu.memref_squeeze %dma_wait3A_17 : memref<1x100x100xi32, #tpu.memory_space<hbm>> -> memref<100x100xi32, #tpu.memory_space<hbm>>
      %dma_wait3A_19 = arith.constant 0 : i32
      %dma_wait3A_20 = arith.constant 0 : i32
      %dma_wait3A_21 = tpu.memref_slice %arg3[%add3A, %dma_wait3A_19, %dma_wait3A_20] : memref<32x100x100xi32, #tpu.memory_space<hbm>> -> memref<1x100x100xi32, #tpu.memory_space<hbm>>
      %dma_wait3A_22 = tpu.memref_squeeze %dma_wait3A_21 : memref<1x100x100xi32, #tpu.memory_space<hbm>> -> memref<100x100xi32, #tpu.memory_space<hbm>>
      tpu.wait_dma2 semaphore(%run_scoped3A : memref<!tpu.dma_semaphore, #tpu.memory_space<semaphore_mem>>) src(%dma_wait3A_22 : memref<100x100xi32, #tpu.memory_space<hbm>>) dst(%arg7 : memref<100x100xi32, #tpu.memory_space<vmem>>)
      tpu.yield
    }) : () -> ()
    "tpu.region"() ({
      %run_scoped3A = tpu.sem_alloc : memref<!tpu.dma_semaphore, #tpu.memory_space<semaphore_mem>>
      %dma_start3A = arith.constant 0 : i32
      %dma_start3A_9 = arith.constant 0 : i32
      %dma_start3A_10 = tpu.memref_slice %arg4[%add3A, %dma_start3A, %dma_start3A_9] : memref<32x100x100xi32, #tpu.memory_space<hbm>> -> memref<1x100x100xi32, #tpu.memory_space<hbm>>
      %dma_start3A_11 = tpu.memref_squeeze %dma_start3A_10 : memref<1x100x100xi32, #tpu.memory_space<hbm>> -> memref<100x100xi32, #tpu.memory_space<hbm>>
      %dma_start3A_12 = arith.constant 0 : i32
      %dma_start3A_13 = arith.constant 0 : i32
      %dma_start3A_14 = tpu.memref_slice %arg4[%add3A, %dma_start3A_12, %dma_start3A_13] : memref<32x100x100xi32, #tpu.memory_space<hbm>> -> memref<1x100x100xi32, #tpu.memory_space<hbm>>
      %dma_start3A_15 = tpu.memref_squeeze %dma_start3A_14 : memref<1x100x100xi32, #tpu.memory_space<hbm>> -> memref<100x100xi32, #tpu.memory_space<hbm>>
      tpu.enqueue_dma source(%dma_start3A_15 : memref<100x100xi32, #tpu.memory_space<hbm>>) target(%arg8 : memref<100x100xi32, #tpu.memory_space<vmem>>) target_semaphore(%run_scoped3A : memref<!tpu.dma_semaphore, #tpu.memory_space<semaphore_mem>>)
      %dma_wait3A = arith.constant 0 : i32
      %dma_wait3A_16 = arith.constant 0 : i32
      %dma_wait3A_17 = tpu.memref_slice %arg4[%add3A, %dma_wait3A, %dma_wait3A_16] : memref<32x100x100xi32, #tpu.memory_space<hbm>> -> memref<1x100x100xi32, #tpu.memory_space<hbm>>
      %dma_wait3A_18 = tpu.memref_squeeze %dma_wait3A_17 : memref<1x100x100xi32, #tpu.memory_space<hbm>> -> memref<100x100xi32, #tpu.memory_space<hbm>>
      %dma_wait3A_19 = arith.constant 0 : i32
      %dma_wait3A_20 = arith.constant 0 : i32
      %dma_wait3A_21 = tpu.memref_slice %arg4[%add3A, %dma_wait3A_19, %dma_wait3A_20] : memref<32x100x100xi32, #tpu.memory_space<hbm>> -> memref<1x100x100xi32, #tpu.memory_space<hbm>>
      %dma_wait3A_22 = tpu.memref_squeeze %dma_wait3A_21 : memref<1x100x100xi32, #tpu.memory_space<hbm>> -> memref<100x100xi32, #tpu.memory_space<hbm>>
      tpu.wait_dma2 semaphore(%run_scoped3A : memref<!tpu.dma_semaphore, #tpu.memory_space<semaphore_mem>>) src(%dma_wait3A_22 : memref<100x100xi32, #tpu.memory_space<hbm>>) dst(%arg8 : memref<100x100xi32, #tpu.memory_space<vmem>>)
      tpu.yield
    }) : () -> ()
    "tpu.region"() ({
      %run_scoped3A = tpu.sem_alloc : memref<!tpu.dma_semaphore, #tpu.memory_space<semaphore_mem>>
      %dma_start3A = arith.constant 0 : i32
      %dma_start3A_9 = tpu.memref_slice %arg10[%mul3A_2, %dma_start3A] : memref<10240x128xf32, #tpu.memory_space<vmem_shared>> -> memref<640x128xf32, #tpu.memory_space<vmem_shared>>
      tpu.enqueue_dma source(%arg5 : memref<640x128xf32, #tpu.memory_space<hbm>>) target(%dma_start3A_9 : memref<640x128xf32, #tpu.memory_space<vmem_shared>>) target_semaphore(%run_scoped3A : memref<!tpu.dma_semaphore, #tpu.memory_space<semaphore_mem>>)
      %dma_wait3A = arith.constant 0 : i32
      %dma_wait3A_10 = tpu.memref_slice %arg10[%mul3A_2, %dma_wait3A] : memref<10240x128xf32, #tpu.memory_space<vmem_shared>> -> memref<640x128xf32, #tpu.memory_space<vmem_shared>>
      tpu.wait_dma2 semaphore(%run_scoped3A : memref<!tpu.dma_semaphore, #tpu.memory_space<semaphore_mem>>) src(%arg5 : memref<640x128xf32, #tpu.memory_space<hbm>>) dst(%dma_wait3A_10 : memref<640x128xf32, #tpu.memory_space<vmem_shared>>)
      tpu.yield
    }) : () -> ()
    %barrier3A = arith.constant 0 : index
    tpu.barrier barrier_id(%barrier3A)
    %scan3A = arith.constant 0 : i32
    %scan3A_3 = arith.constant 0 : i32
    %scan3A_4 = arith.constant 100 : i32
    %scan3A_5 = arith.addi %scan3A_3, %scan3A_4 : i32
    %scan3A_6 = arith.constant 1 : i32
    scf.for %scan3A_9 = %scan3A_3 to %scan3A_5 step %scan3A_6  : i32 {
      %dma_start3A = arith.constant 0 : i32
      %dma_start3A_10 = tpu.memref_slice %arg7[%scan3A_9, %dma_start3A] : memref<100x100xi32, #tpu.memory_space<vmem>> -> memref<1x100xi32, #tpu.memory_space<vmem>>
      %dma_start3A_11 = tpu.memref_squeeze %dma_start3A_10 : memref<1x100xi32, #tpu.memory_space<vmem>> -> memref<100xi32, #tpu.memory_space<vmem>>
      %dma_start3A_12 = arith.constant 0 : i32
      %dma_start3A_13 = arith.constant 0 : i32
      %dma_start3A_14 = tpu.memref_slice %arg2[%dma_start3A_12, %dma_start3A_13] : memref<10000x128xf32, #tpu.memory_space<hbm>> -> memref<10000x128xf32, #tpu.memory_space<hbm>>
      tpu.enqueue_indirect_dma source(%dma_start3A_14 : memref<10000x128xf32, #tpu.memory_space<hbm>>) target(%arg9 : memref<100x128xf32, #tpu.memory_space<vmem>>) offsets(%dma_start3A_11 : memref<100xi32, #tpu.memory_space<vmem>>) semaphore(%arg11 : memref<!tpu.dma_semaphore, #tpu.memory_space<semaphore_mem>>)
      %dma_wait3A = arith.constant 0 : i32
      %dma_wait3A_15 = tpu.memref_slice %arg7[%scan3A_9, %dma_wait3A] : memref<100x100xi32, #tpu.memory_space<vmem>> -> memref<1x100xi32, #tpu.memory_space<vmem>>
      %dma_wait3A_16 = tpu.memref_squeeze %dma_wait3A_15 : memref<1x100xi32, #tpu.memory_space<vmem>> -> memref<100xi32, #tpu.memory_space<vmem>>
      %dma_wait3A_17 = arith.constant 0 : i32
      %dma_wait3A_18 = arith.constant 0 : i32
      %dma_wait3A_19 = tpu.memref_slice %arg2[%dma_wait3A_17, %dma_wait3A_18] : memref<10000x128xf32, #tpu.memory_space<hbm>> -> memref<10000x128xf32, #tpu.memory_space<hbm>>
      tpu.wait_indirect_dma semaphore(%arg11 : memref<!tpu.dma_semaphore, #tpu.memory_space<semaphore_mem>>) src(%dma_wait3A_19 : memref<10000x128xf32, #tpu.memory_space<hbm>>) dst(%arg9 : memref<100x128xf32, #tpu.memory_space<vmem>>)
      "tpu.region"() ({
        %run_scoped3A = tpu.sem_alloc : memref<!tpu.dma_semaphore, #tpu.memory_space<semaphore_mem>>
        %dma_start3A_20 = arith.constant 0 : i32
        %dma_start3A_21 = tpu.memref_slice %arg8[%scan3A_9, %dma_start3A_20] : memref<100x100xi32, #tpu.memory_space<vmem>> -> memref<1x100xi32, #tpu.memory_space<vmem>>
        %dma_start3A_22 = tpu.memref_squeeze %dma_start3A_21 : memref<1x100xi32, #tpu.memory_space<vmem>> -> memref<100xi32, #tpu.memory_space<vmem>>
        %dma_start3A_23 = arith.constant 0 : i32
        %dma_start3A_24 = arith.constant 0 : i32
        %dma_start3A_25 = tpu.memref_slice %arg10[%dma_start3A_23, %dma_start3A_24] : memref<10240x128xf32, #tpu.memory_space<vmem_shared>> -> memref<10240x128xf32, #tpu.memory_space<vmem_shared>>
        tpu.enqueue_indirect_dma source(%arg9 : memref<100x128xf32, #tpu.memory_space<vmem>>) target(%dma_start3A_25 : memref<10240x128xf32, #tpu.memory_space<vmem_shared>>) offsets(%dma_start3A_22 : memref<100xi32, #tpu.memory_space<vmem>>) semaphore(%run_scoped3A : memref<!tpu.dma_semaphore, #tpu.memory_space<semaphore_mem>>) {add = true}
        %dma_wait3A_26 = arith.constant 0 : i32
        %dma_wait3A_27 = tpu.memref_slice %arg8[%scan3A_9, %dma_wait3A_26] : memref<100x100xi32, #tpu.memory_space<vmem>> -> memref<1x100xi32, #tpu.memory_space<vmem>>
        %dma_wait3A_28 = tpu.memref_squeeze %dma_wait3A_27 : memref<1x100xi32, #tpu.memory_space<vmem>> -> memref<100xi32, #tpu.memory_space<vmem>>
        %dma_wait3A_29 = arith.constant 0 : i32
        %dma_wait3A_30 = arith.constant 0 : i32
        %dma_wait3A_31 = tpu.memref_slice %arg10[%dma_wait3A_29, %dma_wait3A_30] : memref<10240x128xf32, #tpu.memory_space<vmem_shared>> -> memref<10240x128xf32, #tpu.memory_space<vmem_shared>>
        tpu.wait_indirect_dma semaphore(%run_scoped3A : memref<!tpu.dma_semaphore, #tpu.memory_space<semaphore_mem>>) src(%arg9 : memref<100x128xf32, #tpu.memory_space<vmem>>) dst(%dma_wait3A_31 : memref<10240x128xf32, #tpu.memory_space<vmem_shared>>)
        tpu.yield
      }) : () -> ()
    }
    %scan3A_7 = arith.constant 100 : i32
    %barrier3A_8 = arith.constant 0 : index
    tpu.barrier barrier_id(%barrier3A_8)
    "tpu.region"() ({
      %run_scoped3A = tpu.sem_alloc : memref<!tpu.dma_semaphore, #tpu.memory_space<semaphore_mem>>
      %dma_start3A = arith.constant 0 : i32
      %dma_start3A_9 = tpu.memref_slice %arg6[%arg0, %mul3A_2, %dma_start3A] : memref<2x10240x128xf32, #tpu.memory_space<hbm>> -> memref<1x640x128xf32, #tpu.memory_space<hbm>>
      %dma_start3A_10 = tpu.memref_squeeze %dma_start3A_9 : memref<1x640x128xf32, #tpu.memory_space<hbm>> -> memref<640x128xf32, #tpu.memory_space<hbm>>
      %dma_start3A_11 = arith.constant 0 : i32
      %dma_start3A_12 = tpu.memref_slice %arg10[%mul3A_2, %dma_start3A_11] : memref<10240x128xf32, #tpu.memory_space<vmem_shared>> -> memref<640x128xf32, #tpu.memory_space<vmem_shared>>
      tpu.enqueue_dma source(%dma_start3A_12 : memref<640x128xf32, #tpu.memory_space<vmem_shared>>) target(%dma_start3A_10 : memref<640x128xf32, #tpu.memory_space<hbm>>) target_semaphore(%run_scoped3A : memref<!tpu.dma_semaphore, #tpu.memory_space<semaphore_mem>>)
      %dma_wait3A = arith.constant 0 : i32
      %dma_wait3A_13 = tpu.memref_slice %arg6[%arg0, %mul3A_2, %dma_wait3A] : memref<2x10240x128xf32, #tpu.memory_space<hbm>> -> memref<1x640x128xf32, #tpu.memory_space<hbm>>
      %dma_wait3A_14 = tpu.memref_squeeze %dma_wait3A_13 : memref<1x640x128xf32, #tpu.memory_space<hbm>> -> memref<640x128xf32, #tpu.memory_space<hbm>>
      %dma_wait3A_15 = arith.constant 0 : i32
      %dma_wait3A_16 = tpu.memref_slice %arg10[%mul3A_2, %dma_wait3A_15] : memref<10240x128xf32, #tpu.memory_space<vmem_shared>> -> memref<640x128xf32, #tpu.memory_space<vmem_shared>>
      tpu.wait_dma2 semaphore(%run_scoped3A : memref<!tpu.dma_semaphore, #tpu.memory_space<semaphore_mem>>) src(%dma_wait3A_16 : memref<640x128xf32, #tpu.memory_space<vmem_shared>>) dst(%dma_wait3A_14 : memref<640x128xf32, #tpu.memory_space<hbm>>)
      tpu.yield
    }) : () -> ()
    return
  }
}

#map = affine_map<(d0, d1) -> (0, 0)>
#map1 = affine_map<(d0, d1) -> (0, 0, 0)>
module attributes {stable_mosaic.version = 14 : i64} {
  func.func @_sc_agg(%arg0: i32, %arg1: i32, %arg2: memref<10000x128xf32, #tpu.memory_space<hbm>>, %arg3: memref<32x100x100xi32, #tpu.memory_space<hbm>>, %arg4: memref<32x100x100xi32, #tpu.memory_space<hbm>>, %arg5: memref<640x128xf32, #tpu.memory_space<hbm>>, %arg6: memref<2x10240x128xf32, #tpu.memory_space<hbm>>, %arg7: memref<100x100xi32, #tpu.memory_space<vmem>>, %arg8: memref<100x100xi32, #tpu.memory_space<vmem>>, %arg9: memref<100x128xf32, #tpu.memory_space<vmem>>, %arg10: memref<10240x128xf32, #tpu.memory_space<vmem_shared>>, %arg11: memref<!tpu.dma_semaphore, #tpu.memory_space<semaphore_mem>>) attributes {dimension_semantics = [#tpu.dimension_semantics<core_parallel>, #tpu.dimension_semantics<subcore_parallel>], iteration_bounds = array<i64: 2, 16>, scalar_prefetch = 0 : i64, scratch_operands = 5 : i64, tpu.core_type = #tpu.core_type<sc_vector_subcore>, window_params = [{transform_indices = #map}, {transform_indices = #map1}, {transform_indices = #map1}, {transform_indices = #map}, {transform_indices = #map1}]} {
    %mul3A = arith.constant 2 : i32
    %mul3A_0 = arith.muli %arg1, %mul3A : i32
    %add3A = arith.addi %mul3A_0, %arg0 : i32
    %mul3A_1 = arith.constant 640 : i32
    %mul3A_2 = arith.muli %arg1, %mul3A_1 : i32
    "tpu.region"() ({
      %run_scoped3A = tpu.sem_alloc : memref<!tpu.dma_semaphore, #tpu.memory_space<semaphore_mem>>
      %dma_start3A = arith.constant 0 : i32
      %dma_start3A_9 = arith.constant 0 : i32
      %dma_start3A_10 = tpu.memref_slice %arg3[%add3A, %dma_start3A, %dma_start3A_9] : memref<32x100x100xi32, #tpu.memory_space<hbm>> -> memref<1x100x100xi32, #tpu.memory_space<hbm>>
      %dma_start3A_11 = tpu.memref_squeeze %dma_start3A_10 : memref<1x100x100xi32, #tpu.memory_space<hbm>> -> memref<100x100xi32, #tpu.memory_space<hbm>>
      %dma_start3A_12 = arith.constant 0 : i32
      %dma_start3A_13 = arith.constant 0 : i32
      %dma_start3A_14 = tpu.memref_slice %arg3[%add3A, %dma_start3A_12, %dma_start3A_13] : memref<32x100x100xi32, #tpu.memory_space<hbm>> -> memref<1x100x100xi32, #tpu.memory_space<hbm>>
      %dma_start3A_15 = tpu.memref_squeeze %dma_start3A_14 : memref<1x100x100xi32, #tpu.memory_space<hbm>> -> memref<100x100xi32, #tpu.memory_space<hbm>>
      tpu.enqueue_dma source(%dma_start3A_15 : memref<100x100xi32, #tpu.memory_space<hbm>>) target(%arg7 : memref<100x100xi32, #tpu.memory_space<vmem>>) target_semaphore(%run_scoped3A : memref<!tpu.dma_semaphore, #tpu.memory_space<semaphore_mem>>)
      %dma_wait3A = arith.constant 0 : i32
      %dma_wait3A_16 = arith.constant 0 : i32
      %dma_wait3A_17 = tpu.memref_slice %arg3[%add3A, %dma_wait3A, %dma_wait3A_16] : memref<32x100x100xi32, #tpu.memory_space<hbm>> -> memref<1x100x100xi32, #tpu.memory_space<hbm>>
      %dma_wait3A_18 = tpu.memref_squeeze %dma_wait3A_17 : memref<1x100x100xi32, #tpu.memory_space<hbm>> -> memref<100x100xi32, #tpu.memory_space<hbm>>
      %dma_wait3A_19 = arith.constant 0 : i32
      %dma_wait3A_20 = arith.constant 0 : i32
      %dma_wait3A_21 = tpu.memref_slice %arg3[%add3A, %dma_wait3A_19, %dma_wait3A_20] : memref<32x100x100xi32, #tpu.memory_space<hbm>> -> memref<1x100x100xi32, #tpu.memory_space<hbm>>
      %dma_wait3A_22 = tpu.memref_squeeze %dma_wait3A_21 : memref<1x100x100xi32, #tpu.memory_space<hbm>> -> memref<100x100xi32, #tpu.memory_space<hbm>>
      tpu.wait_dma2 semaphore(%run_scoped3A : memref<!tpu.dma_semaphore, #tpu.memory_space<semaphore_mem>>) src(%dma_wait3A_22 : memref<100x100xi32, #tpu.memory_space<hbm>>) dst(%arg7 : memref<100x100xi32, #tpu.memory_space<vmem>>)
      tpu.yield
    }) : () -> ()
    "tpu.region"() ({
      %run_scoped3A = tpu.sem_alloc : memref<!tpu.dma_semaphore, #tpu.memory_space<semaphore_mem>>
      %dma_start3A = arith.constant 0 : i32
      %dma_start3A_9 = arith.constant 0 : i32
      %dma_start3A_10 = tpu.memref_slice %arg4[%add3A, %dma_start3A, %dma_start3A_9] : memref<32x100x100xi32, #tpu.memory_space<hbm>> -> memref<1x100x100xi32, #tpu.memory_space<hbm>>
      %dma_start3A_11 = tpu.memref_squeeze %dma_start3A_10 : memref<1x100x100xi32, #tpu.memory_space<hbm>> -> memref<100x100xi32, #tpu.memory_space<hbm>>
      %dma_start3A_12 = arith.constant 0 : i32
      %dma_start3A_13 = arith.constant 0 : i32
      %dma_start3A_14 = tpu.memref_slice %arg4[%add3A, %dma_start3A_12, %dma_start3A_13] : memref<32x100x100xi32, #tpu.memory_space<hbm>> -> memref<1x100x100xi32, #tpu.memory_space<hbm>>
      %dma_start3A_15 = tpu.memref_squeeze %dma_start3A_14 : memref<1x100x100xi32, #tpu.memory_space<hbm>> -> memref<100x100xi32, #tpu.memory_space<hbm>>
      tpu.enqueue_dma source(%dma_start3A_15 : memref<100x100xi32, #tpu.memory_space<hbm>>) target(%arg8 : memref<100x100xi32, #tpu.memory_space<vmem>>) target_semaphore(%run_scoped3A : memref<!tpu.dma_semaphore, #tpu.memory_space<semaphore_mem>>)
      %dma_wait3A = arith.constant 0 : i32
      %dma_wait3A_16 = arith.constant 0 : i32
      %dma_wait3A_17 = tpu.memref_slice %arg4[%add3A, %dma_wait3A, %dma_wait3A_16] : memref<32x100x100xi32, #tpu.memory_space<hbm>> -> memref<1x100x100xi32, #tpu.memory_space<hbm>>
      %dma_wait3A_18 = tpu.memref_squeeze %dma_wait3A_17 : memref<1x100x100xi32, #tpu.memory_space<hbm>> -> memref<100x100xi32, #tpu.memory_space<hbm>>
      %dma_wait3A_19 = arith.constant 0 : i32
      %dma_wait3A_20 = arith.constant 0 : i32
      %dma_wait3A_21 = tpu.memref_slice %arg4[%add3A, %dma_wait3A_19, %dma_wait3A_20] : memref<32x100x100xi32, #tpu.memory_space<hbm>> -> memref<1x100x100xi32, #tpu.memory_space<hbm>>
      %dma_wait3A_22 = tpu.memref_squeeze %dma_wait3A_21 : memref<1x100x100xi32, #tpu.memory_space<hbm>> -> memref<100x100xi32, #tpu.memory_space<hbm>>
      tpu.wait_dma2 semaphore(%run_scoped3A : memref<!tpu.dma_semaphore, #tpu.memory_space<semaphore_mem>>) src(%dma_wait3A_22 : memref<100x100xi32, #tpu.memory_space<hbm>>) dst(%arg8 : memref<100x100xi32, #tpu.memory_space<vmem>>)
      tpu.yield
    }) : () -> ()
    "tpu.region"() ({
      %run_scoped3A = tpu.sem_alloc : memref<!tpu.dma_semaphore, #tpu.memory_space<semaphore_mem>>
      %dma_start3A = arith.constant 0 : i32
      %dma_start3A_9 = tpu.memref_slice %arg10[%mul3A_2, %dma_start3A] : memref<10240x128xf32, #tpu.memory_space<vmem_shared>> -> memref<640x128xf32, #tpu.memory_space<vmem_shared>>
      tpu.enqueue_dma source(%arg5 : memref<640x128xf32, #tpu.memory_space<hbm>>) target(%dma_start3A_9 : memref<640x128xf32, #tpu.memory_space<vmem_shared>>) target_semaphore(%run_scoped3A : memref<!tpu.dma_semaphore, #tpu.memory_space<semaphore_mem>>)
      %dma_wait3A = arith.constant 0 : i32
      %dma_wait3A_10 = tpu.memref_slice %arg10[%mul3A_2, %dma_wait3A] : memref<10240x128xf32, #tpu.memory_space<vmem_shared>> -> memref<640x128xf32, #tpu.memory_space<vmem_shared>>
      tpu.wait_dma2 semaphore(%run_scoped3A : memref<!tpu.dma_semaphore, #tpu.memory_space<semaphore_mem>>) src(%arg5 : memref<640x128xf32, #tpu.memory_space<hbm>>) dst(%dma_wait3A_10 : memref<640x128xf32, #tpu.memory_space<vmem_shared>>)
      tpu.yield
    }) : () -> ()
    %barrier3A = arith.constant 0 : index
    tpu.barrier barrier_id(%barrier3A)
    %scan3A = arith.constant 0 : i32
    %scan3A_3 = arith.constant 0 : i32
    %scan3A_4 = arith.constant 100 : i32
    %scan3A_5 = arith.addi %scan3A_3, %scan3A_4 : i32
    %scan3A_6 = arith.constant 1 : i32
    scf.for %scan3A_9 = %scan3A_3 to %scan3A_5 step %scan3A_6  : i32 {
      %dma_start3A = arith.constant 0 : i32
      %dma_start3A_10 = tpu.memref_slice %arg7[%scan3A_9, %dma_start3A] : memref<100x100xi32, #tpu.memory_space<vmem>> -> memref<1x100xi32, #tpu.memory_space<vmem>>
      %dma_start3A_11 = tpu.memref_squeeze %dma_start3A_10 : memref<1x100xi32, #tpu.memory_space<vmem>> -> memref<100xi32, #tpu.memory_space<vmem>>
      %dma_start3A_12 = arith.constant 0 : i32
      %dma_start3A_13 = arith.constant 0 : i32
      %dma_start3A_14 = tpu.memref_slice %arg2[%dma_start3A_12, %dma_start3A_13] : memref<10000x128xf32, #tpu.memory_space<hbm>> -> memref<10000x128xf32, #tpu.memory_space<hbm>>
      tpu.enqueue_indirect_dma source(%dma_start3A_14 : memref<10000x128xf32, #tpu.memory_space<hbm>>) target(%arg9 : memref<100x128xf32, #tpu.memory_space<vmem>>) offsets(%dma_start3A_11 : memref<100xi32, #tpu.memory_space<vmem>>) semaphore(%arg11 : memref<!tpu.dma_semaphore, #tpu.memory_space<semaphore_mem>>)
      %dma_wait3A = arith.constant 0 : i32
      %dma_wait3A_15 = tpu.memref_slice %arg7[%scan3A_9, %dma_wait3A] : memref<100x100xi32, #tpu.memory_space<vmem>> -> memref<1x100xi32, #tpu.memory_space<vmem>>
      %dma_wait3A_16 = tpu.memref_squeeze %dma_wait3A_15 : memref<1x100xi32, #tpu.memory_space<vmem>> -> memref<100xi32, #tpu.memory_space<vmem>>
      %dma_wait3A_17 = arith.constant 0 : i32
      %dma_wait3A_18 = arith.constant 0 : i32
      %dma_wait3A_19 = tpu.memref_slice %arg2[%dma_wait3A_17, %dma_wait3A_18] : memref<10000x128xf32, #tpu.memory_space<hbm>> -> memref<10000x128xf32, #tpu.memory_space<hbm>>
      tpu.wait_indirect_dma semaphore(%arg11 : memref<!tpu.dma_semaphore, #tpu.memory_space<semaphore_mem>>) src(%dma_wait3A_19 : memref<10000x128xf32, #tpu.memory_space<hbm>>) dst(%arg9 : memref<100x128xf32, #tpu.memory_space<vmem>>)
      "tpu.region"() ({
        %run_scoped3A = tpu.sem_alloc : memref<!tpu.dma_semaphore, #tpu.memory_space<semaphore_mem>>
        %dma_start3A_20 = arith.constant 0 : i32
        %dma_start3A_21 = tpu.memref_slice %arg8[%scan3A_9, %dma_start3A_20] : memref<100x100xi32, #tpu.memory_space<vmem>> -> memref<1x100xi32, #tpu.memory_space<vmem>>
        %dma_start3A_22 = tpu.memref_squeeze %dma_start3A_21 : memref<1x100xi32, #tpu.memory_space<vmem>> -> memref<100xi32, #tpu.memory_space<vmem>>
        %dma_start3A_23 = arith.constant 0 : i32
        %dma_start3A_24 = arith.constant 0 : i32
        %dma_start3A_25 = tpu.memref_slice %arg10[%dma_start3A_23, %dma_start3A_24] : memref<10240x128xf32, #tpu.memory_space<vmem_shared>> -> memref<10240x128xf32, #tpu.memory_space<vmem_shared>>
        tpu.enqueue_indirect_dma source(%arg9 : memref<100x128xf32, #tpu.memory_space<vmem>>) target(%dma_start3A_25 : memref<10240x128xf32, #tpu.memory_space<vmem_shared>>) offsets(%dma_start3A_22 : memref<100xi32, #tpu.memory_space<vmem>>) semaphore(%run_scoped3A : memref<!tpu.dma_semaphore, #tpu.memory_space<semaphore_mem>>) {add = true}
        %dma_wait3A_26 = arith.constant 0 : i32
        %dma_wait3A_27 = tpu.memref_slice %arg8[%scan3A_9, %dma_wait3A_26] : memref<100x100xi32, #tpu.memory_space<vmem>> -> memref<1x100xi32, #tpu.memory_space<vmem>>
        %dma_wait3A_28 = tpu.memref_squeeze %dma_wait3A_27 : memref<1x100xi32, #tpu.memory_space<vmem>> -> memref<100xi32, #tpu.memory_space<vmem>>
        %dma_wait3A_29 = arith.constant 0 : i32
        %dma_wait3A_30 = arith.constant 0 : i32
        %dma_wait3A_31 = tpu.memref_slice %arg10[%dma_wait3A_29, %dma_wait3A_30] : memref<10240x128xf32, #tpu.memory_space<vmem_shared>> -> memref<10240x128xf32, #tpu.memory_space<vmem_shared>>
        tpu.wait_indirect_dma semaphore(%run_scoped3A : memref<!tpu.dma_semaphore, #tpu.memory_space<semaphore_mem>>) src(%arg9 : memref<100x128xf32, #tpu.memory_space<vmem>>) dst(%dma_wait3A_31 : memref<10240x128xf32, #tpu.memory_space<vmem_shared>>)
        tpu.yield
      }) : () -> ()
    }
    %scan3A_7 = arith.constant 100 : i32
    %barrier3A_8 = arith.constant 0 : index
    tpu.barrier barrier_id(%barrier3A_8)
    "tpu.region"() ({
      %run_scoped3A = tpu.sem_alloc : memref<!tpu.dma_semaphore, #tpu.memory_space<semaphore_mem>>
      %dma_start3A = arith.constant 0 : i32
      %dma_start3A_9 = tpu.memref_slice %arg6[%arg0, %mul3A_2, %dma_start3A] : memref<2x10240x128xf32, #tpu.memory_space<hbm>> -> memref<1x640x128xf32, #tpu.memory_space<hbm>>
      %dma_start3A_10 = tpu.memref_squeeze %dma_start3A_9 : memref<1x640x128xf32, #tpu.memory_space<hbm>> -> memref<640x128xf32, #tpu.memory_space<hbm>>
      %dma_start3A_11 = arith.constant 0 : i32
      %dma_start3A_12 = tpu.memref_slice %arg10[%mul3A_2, %dma_start3A_11] : memref<10240x128xf32, #tpu.memory_space<vmem_shared>> -> memref<640x128xf32, #tpu.memory_space<vmem_shared>>
      tpu.enqueue_dma source(%dma_start3A_12 : memref<640x128xf32, #tpu.memory_space<vmem_shared>>) target(%dma_start3A_10 : memref<640x128xf32, #tpu.memory_space<hbm>>) target_semaphore(%run_scoped3A : memref<!tpu.dma_semaphore, #tpu.memory_space<semaphore_mem>>)
      %dma_wait3A = arith.constant 0 : i32
      %dma_wait3A_13 = tpu.memref_slice %arg6[%arg0, %mul3A_2, %dma_wait3A] : memref<2x10240x128xf32, #tpu.memory_space<hbm>> -> memref<1x640x128xf32, #tpu.memory_space<hbm>>
      %dma_wait3A_14 = tpu.memref_squeeze %dma_wait3A_13 : memref<1x640x128xf32, #tpu.memory_space<hbm>> -> memref<640x128xf32, #tpu.memory_space<hbm>>
      %dma_wait3A_15 = arith.constant 0 : i32
      %dma_wait3A_16 = tpu.memref_slice %arg10[%mul3A_2, %dma_wait3A_15] : memref<10240x128xf32, #tpu.memory_space<vmem_shared>> -> memref<640x128xf32, #tpu.memory_space<vmem_shared>>
      tpu.wait_dma2 semaphore(%run_scoped3A : memref<!tpu.dma_semaphore, #tpu.memory_space<semaphore_mem>>) src(%dma_wait3A_16 : memref<640x128xf32, #tpu.memory_space<vmem_shared>>) dst(%dma_wait3A_14 : memref<640x128xf32, #tpu.memory_space<hbm>>)
      tpu.yield
    }) : () -> ()
    return
  }
}

#map = affine_map<(d0, d1) -> (0, 0, 0)>
#map1 = affine_map<(d0, d1) -> (0, 0)>
module attributes {stable_mosaic.version = 14 : i64} {
  func.func @_sc_cnt(%arg0: i32, %arg1: i32, %arg2: memref<32x100x100xi32, #tpu.memory_space<hbm>>, %arg3: memref<100x128xf32, #tpu.memory_space<hbm>>, %arg4: memref<640x128xf32, #tpu.memory_space<hbm>>, %arg5: memref<2x10240x128xf32, #tpu.memory_space<hbm>>, %arg6: memref<100x100xi32, #tpu.memory_space<vmem>>, %arg7: memref<100x128xf32, #tpu.memory_space<vmem>>, %arg8: memref<10240x128xf32, #tpu.memory_space<vmem_shared>>) attributes {dimension_semantics = [#tpu.dimension_semantics<core_parallel>, #tpu.dimension_semantics<subcore_parallel>], iteration_bounds = array<i64: 2, 16>, scalar_prefetch = 0 : i64, scratch_operands = 3 : i64, tpu.core_type = #tpu.core_type<sc_vector_subcore>, window_params = [{transform_indices = #map}, {transform_indices = #map1}, {transform_indices = #map1}, {transform_indices = #map}]} {
    %mul3A = arith.constant 2 : i32
    %mul3A_0 = arith.muli %arg1, %mul3A : i32
    %add3A = arith.addi %mul3A_0, %arg0 : i32
    %mul3A_1 = arith.constant 640 : i32
    %mul3A_2 = arith.muli %arg1, %mul3A_1 : i32
    "tpu.region"() ({
      %run_scoped3A = tpu.sem_alloc : memref<!tpu.dma_semaphore, #tpu.memory_space<semaphore_mem>>
      %dma_start3A = arith.constant 0 : i32
      %dma_start3A_9 = arith.constant 0 : i32
      %dma_start3A_10 = tpu.memref_slice %arg2[%add3A, %dma_start3A, %dma_start3A_9] : memref<32x100x100xi32, #tpu.memory_space<hbm>> -> memref<1x100x100xi32, #tpu.memory_space<hbm>>
      %dma_start3A_11 = tpu.memref_squeeze %dma_start3A_10 : memref<1x100x100xi32, #tpu.memory_space<hbm>> -> memref<100x100xi32, #tpu.memory_space<hbm>>
      %dma_start3A_12 = arith.constant 0 : i32
      %dma_start3A_13 = arith.constant 0 : i32
      %dma_start3A_14 = tpu.memref_slice %arg2[%add3A, %dma_start3A_12, %dma_start3A_13] : memref<32x100x100xi32, #tpu.memory_space<hbm>> -> memref<1x100x100xi32, #tpu.memory_space<hbm>>
      %dma_start3A_15 = tpu.memref_squeeze %dma_start3A_14 : memref<1x100x100xi32, #tpu.memory_space<hbm>> -> memref<100x100xi32, #tpu.memory_space<hbm>>
      tpu.enqueue_dma source(%dma_start3A_15 : memref<100x100xi32, #tpu.memory_space<hbm>>) target(%arg6 : memref<100x100xi32, #tpu.memory_space<vmem>>) target_semaphore(%run_scoped3A : memref<!tpu.dma_semaphore, #tpu.memory_space<semaphore_mem>>)
      %dma_wait3A = arith.constant 0 : i32
      %dma_wait3A_16 = arith.constant 0 : i32
      %dma_wait3A_17 = tpu.memref_slice %arg2[%add3A, %dma_wait3A, %dma_wait3A_16] : memref<32x100x100xi32, #tpu.memory_space<hbm>> -> memref<1x100x100xi32, #tpu.memory_space<hbm>>
      %dma_wait3A_18 = tpu.memref_squeeze %dma_wait3A_17 : memref<1x100x100xi32, #tpu.memory_space<hbm>> -> memref<100x100xi32, #tpu.memory_space<hbm>>
      %dma_wait3A_19 = arith.constant 0 : i32
      %dma_wait3A_20 = arith.constant 0 : i32
      %dma_wait3A_21 = tpu.memref_slice %arg2[%add3A, %dma_wait3A_19, %dma_wait3A_20] : memref<32x100x100xi32, #tpu.memory_space<hbm>> -> memref<1x100x100xi32, #tpu.memory_space<hbm>>
      %dma_wait3A_22 = tpu.memref_squeeze %dma_wait3A_21 : memref<1x100x100xi32, #tpu.memory_space<hbm>> -> memref<100x100xi32, #tpu.memory_space<hbm>>
      tpu.wait_dma2 semaphore(%run_scoped3A : memref<!tpu.dma_semaphore, #tpu.memory_space<semaphore_mem>>) src(%dma_wait3A_22 : memref<100x100xi32, #tpu.memory_space<hbm>>) dst(%arg6 : memref<100x100xi32, #tpu.memory_space<vmem>>)
      tpu.yield
    }) : () -> ()
    "tpu.region"() ({
      %run_scoped3A = tpu.sem_alloc : memref<!tpu.dma_semaphore, #tpu.memory_space<semaphore_mem>>
      tpu.enqueue_dma source(%arg3 : memref<100x128xf32, #tpu.memory_space<hbm>>) target(%arg7 : memref<100x128xf32, #tpu.memory_space<vmem>>) target_semaphore(%run_scoped3A : memref<!tpu.dma_semaphore, #tpu.memory_space<semaphore_mem>>)
      tpu.wait_dma2 semaphore(%run_scoped3A : memref<!tpu.dma_semaphore, #tpu.memory_space<semaphore_mem>>) src(%arg3 : memref<100x128xf32, #tpu.memory_space<hbm>>) dst(%arg7 : memref<100x128xf32, #tpu.memory_space<vmem>>)
      tpu.yield
    }) : () -> ()
    "tpu.region"() ({
      %run_scoped3A = tpu.sem_alloc : memref<!tpu.dma_semaphore, #tpu.memory_space<semaphore_mem>>
      %dma_start3A = arith.constant 0 : i32
      %dma_start3A_9 = tpu.memref_slice %arg8[%mul3A_2, %dma_start3A] : memref<10240x128xf32, #tpu.memory_space<vmem_shared>> -> memref<640x128xf32, #tpu.memory_space<vmem_shared>>
      tpu.enqueue_dma source(%arg4 : memref<640x128xf32, #tpu.memory_space<hbm>>) target(%dma_start3A_9 : memref<640x128xf32, #tpu.memory_space<vmem_shared>>) target_semaphore(%run_scoped3A : memref<!tpu.dma_semaphore, #tpu.memory_space<semaphore_mem>>)
      %dma_wait3A = arith.constant 0 : i32
      %dma_wait3A_10 = tpu.memref_slice %arg8[%mul3A_2, %dma_wait3A] : memref<10240x128xf32, #tpu.memory_space<vmem_shared>> -> memref<640x128xf32, #tpu.memory_space<vmem_shared>>
      tpu.wait_dma2 semaphore(%run_scoped3A : memref<!tpu.dma_semaphore, #tpu.memory_space<semaphore_mem>>) src(%arg4 : memref<640x128xf32, #tpu.memory_space<hbm>>) dst(%dma_wait3A_10 : memref<640x128xf32, #tpu.memory_space<vmem_shared>>)
      tpu.yield
    }) : () -> ()
    %barrier3A = arith.constant 0 : index
    tpu.barrier barrier_id(%barrier3A)
    %scan3A = arith.constant 0 : i32
    %scan3A_3 = arith.constant 0 : i32
    %scan3A_4 = arith.constant 100 : i32
    %scan3A_5 = arith.addi %scan3A_3, %scan3A_4 : i32
    %scan3A_6 = arith.constant 1 : i32
    scf.for %scan3A_9 = %scan3A_3 to %scan3A_5 step %scan3A_6  : i32 {
      "tpu.region"() ({
        %run_scoped3A = tpu.sem_alloc : memref<!tpu.dma_semaphore, #tpu.memory_space<semaphore_mem>>
        %dma_start3A = arith.constant 0 : i32
        %dma_start3A_10 = tpu.memref_slice %arg6[%scan3A_9, %dma_start3A] : memref<100x100xi32, #tpu.memory_space<vmem>> -> memref<1x100xi32, #tpu.memory_space<vmem>>
        %dma_start3A_11 = tpu.memref_squeeze %dma_start3A_10 : memref<1x100xi32, #tpu.memory_space<vmem>> -> memref<100xi32, #tpu.memory_space<vmem>>
        %dma_start3A_12 = arith.constant 0 : i32
        %dma_start3A_13 = arith.constant 0 : i32
        %dma_start3A_14 = tpu.memref_slice %arg8[%dma_start3A_12, %dma_start3A_13] : memref<10240x128xf32, #tpu.memory_space<vmem_shared>> -> memref<10240x128xf32, #tpu.memory_space<vmem_shared>>
        tpu.enqueue_indirect_dma source(%arg7 : memref<100x128xf32, #tpu.memory_space<vmem>>) target(%dma_start3A_14 : memref<10240x128xf32, #tpu.memory_space<vmem_shared>>) offsets(%dma_start3A_11 : memref<100xi32, #tpu.memory_space<vmem>>) semaphore(%run_scoped3A : memref<!tpu.dma_semaphore, #tpu.memory_space<semaphore_mem>>) {add = true}
        %dma_wait3A = arith.constant 0 : i32
        %dma_wait3A_15 = tpu.memref_slice %arg6[%scan3A_9, %dma_wait3A] : memref<100x100xi32, #tpu.memory_space<vmem>> -> memref<1x100xi32, #tpu.memory_space<vmem>>
        %dma_wait3A_16 = tpu.memref_squeeze %dma_wait3A_15 : memref<1x100xi32, #tpu.memory_space<vmem>> -> memref<100xi32, #tpu.memory_space<vmem>>
        %dma_wait3A_17 = arith.constant 0 : i32
        %dma_wait3A_18 = arith.constant 0 : i32
        %dma_wait3A_19 = tpu.memref_slice %arg8[%dma_wait3A_17, %dma_wait3A_18] : memref<10240x128xf32, #tpu.memory_space<vmem_shared>> -> memref<10240x128xf32, #tpu.memory_space<vmem_shared>>
        tpu.wait_indirect_dma semaphore(%run_scoped3A : memref<!tpu.dma_semaphore, #tpu.memory_space<semaphore_mem>>) src(%arg7 : memref<100x128xf32, #tpu.memory_space<vmem>>) dst(%dma_wait3A_19 : memref<10240x128xf32, #tpu.memory_space<vmem_shared>>)
        tpu.yield
      }) : () -> ()
    }
    %scan3A_7 = arith.constant 100 : i32
    %barrier3A_8 = arith.constant 0 : index
    tpu.barrier barrier_id(%barrier3A_8)
    "tpu.region"() ({
      %run_scoped3A = tpu.sem_alloc : memref<!tpu.dma_semaphore, #tpu.memory_space<semaphore_mem>>
      %dma_start3A = arith.constant 0 : i32
      %dma_start3A_9 = tpu.memref_slice %arg5[%arg0, %mul3A_2, %dma_start3A] : memref<2x10240x128xf32, #tpu.memory_space<hbm>> -> memref<1x640x128xf32, #tpu.memory_space<hbm>>
      %dma_start3A_10 = tpu.memref_squeeze %dma_start3A_9 : memref<1x640x128xf32, #tpu.memory_space<hbm>> -> memref<640x128xf32, #tpu.memory_space<hbm>>
      %dma_start3A_11 = arith.constant 0 : i32
      %dma_start3A_12 = tpu.memref_slice %arg8[%mul3A_2, %dma_start3A_11] : memref<10240x128xf32, #tpu.memory_space<vmem_shared>> -> memref<640x128xf32, #tpu.memory_space<vmem_shared>>
      tpu.enqueue_dma source(%dma_start3A_12 : memref<640x128xf32, #tpu.memory_space<vmem_shared>>) target(%dma_start3A_10 : memref<640x128xf32, #tpu.memory_space<hbm>>) target_semaphore(%run_scoped3A : memref<!tpu.dma_semaphore, #tpu.memory_space<semaphore_mem>>)
      %dma_wait3A = arith.constant 0 : i32
      %dma_wait3A_13 = tpu.memref_slice %arg5[%arg0, %mul3A_2, %dma_wait3A] : memref<2x10240x128xf32, #tpu.memory_space<hbm>> -> memref<1x640x128xf32, #tpu.memory_space<hbm>>
      %dma_wait3A_14 = tpu.memref_squeeze %dma_wait3A_13 : memref<1x640x128xf32, #tpu.memory_space<hbm>> -> memref<640x128xf32, #tpu.memory_space<hbm>>
      %dma_wait3A_15 = arith.constant 0 : i32
      %dma_wait3A_16 = tpu.memref_slice %arg8[%mul3A_2, %dma_wait3A_15] : memref<10240x128xf32, #tpu.memory_space<vmem_shared>> -> memref<640x128xf32, #tpu.memory_space<vmem_shared>>
      tpu.wait_dma2 semaphore(%run_scoped3A : memref<!tpu.dma_semaphore, #tpu.memory_space<semaphore_mem>>) src(%dma_wait3A_16 : memref<640x128xf32, #tpu.memory_space<vmem_shared>>) dst(%dma_wait3A_14 : memref<640x128xf32, #tpu.memory_space<hbm>>)
      tpu.yield
    }) : () -> ()
    return
  }
}

module attributes {stable_mosaic.version = 14 : i64} {
  func.func @_tc_mid_body(%arg0: i32, %arg1: memref<1000x128xf32, #tpu.memory_space<vmem>>, %arg2: memref<1000x128xf32, #tpu.memory_space<vmem>>, %arg3: memref<1000x128xf32, #tpu.memory_space<vmem>>, %arg4: memref<1000x128xf32, #tpu.memory_space<vmem>>, %arg5: memref<1000x128xf32, #tpu.memory_space<vmem>>, %arg6: memref<128x128xf32, #tpu.memory_space<vmem>>, %arg7: memref<128x128xf32, #tpu.memory_space<vmem>>, %arg8: memref<1x128xf32, #tpu.memory_space<vmem>>, %arg9: memref<1000x128xf32, #tpu.memory_space<vmem>>) attributes {dimension_semantics = [#tpu.dimension_semantics<arbitrary>], iteration_bounds = array<i64: 10>, scalar_prefetch = 0 : i64, scratch_operands = 0 : i64, tpu.core_type = #tpu.core_type<tc>, window_params = [{transform_indices = @transform_0, window_bounds = array<i64: 1000, 128>}, {transform_indices = @transform_1, window_bounds = array<i64: 1000, 128>}, {transform_indices = @transform_2, window_bounds = array<i64: 1000, 128>}, {transform_indices = @transform_3, window_bounds = array<i64: 1000, 128>}, {transform_indices = @transform_4, window_bounds = array<i64: 1000, 128>}, {pipeline_mode = #tpu.pipeline_mode<synchronous>, transform_indices = @transform_5, window_bounds = array<i64: 128, 128>}, {pipeline_mode = #tpu.pipeline_mode<synchronous>, transform_indices = @transform_6, window_bounds = array<i64: 128, 128>}, {pipeline_mode = #tpu.pipeline_mode<synchronous>, transform_indices = @transform_7, window_bounds = array<i64: 1, 128>}, {transform_indices = @transform_8, window_bounds = array<i64: 1000, 128>}]} {
    %get3A = arith.constant 0 : index
    %get3A_0 = arith.constant 0 : index
    %get3A_1 = vector.load %arg2[%get3A, %get3A_0] : memref<1000x128xf32, #tpu.memory_space<vmem>>, vector<1000x128xf32>
    %get3A_2 = arith.constant 0 : index
    %get3A_3 = arith.constant 0 : index
    %get3A_4 = vector.load %arg3[%get3A_2, %get3A_3] : memref<1000x128xf32, #tpu.memory_space<vmem>>, vector<1000x128xf32>
    %add3A = arith.addf %get3A_1, %get3A_4 : vector<1000x128xf32>
    %get3A_5 = arith.constant 0 : index
    %get3A_6 = arith.constant 0 : index
    %get3A_7 = vector.load %arg4[%get3A_5, %get3A_6] : memref<1000x128xf32, #tpu.memory_space<vmem>>, vector<1000x128xf32>
    %get3A_8 = arith.constant 0 : index
    %get3A_9 = arith.constant 0 : index
    %get3A_10 = vector.load %arg5[%get3A_8, %get3A_9] : memref<1000x128xf32, #tpu.memory_space<vmem>>, vector<1000x128xf32>
    %add3A_11 = arith.addf %get3A_7, %get3A_10 : vector<1000x128xf32>
    %slice3A = vector.extract_strided_slice %add3A_11 {offsets = [0, 0], sizes = [1000, 1], strides = [1, 1]} : vector<1000x128xf32> to vector<1000x1xf32>
    %max3A = arith.constant 1.000000e+00 : f32
    %max3A_12 = vector.broadcast %max3A : f32 to vector<1000x1xf32>
    %max3A_13 = arith.maximumf %slice3A, %max3A_12 : vector<1000x1xf32>
    %div3A = arith.constant 1.000000e+00 : f32
    %div3A_14 = vector.broadcast %div3A : f32 to vector<1000x1xf32>
    %div3A_15 = arith.divf %div3A_14, %max3A_13 : vector<1000x1xf32>
    %mul3A = vector.broadcast %div3A_15 : vector<1000x1xf32> to vector<1000x128xf32>
    %mul3A_16 = arith.mulf %add3A, %mul3A : vector<1000x128xf32>
    %get3A_17 = arith.constant 0 : index
    %get3A_18 = arith.constant 0 : index
    %get3A_19 = vector.load %arg6[%get3A_17, %get3A_18] : memref<128x128xf32, #tpu.memory_space<vmem>>, vector<128x128xf32>
    %dot_general3A = arith.constant dense<0.000000e+00> : vector<1000x128xf32>
    %dot_general3A_20 = tpu.matmul %mul3A_16, %get3A_19, %dot_general3A {dimension_numbers = #tpu.dot_dimension_numbers<[1], [0], [0], [1], [0, 0, 1, 1], [], []>, transpose_lhs_hint = false} : vector<1000x128xf32>, vector<128x128xf32>, vector<1000x128xf32> -> vector<1000x128xf32>
    %get3A_21 = arith.constant 0 : index
    %get3A_22 = arith.constant 0 : index
    %get3A_23 = vector.load %arg1[%get3A_21, %get3A_22] : memref<1000x128xf32, #tpu.memory_space<vmem>>, vector<1000x128xf32>
    %get3A_24 = arith.constant 0 : index
    %get3A_25 = arith.constant 0 : index
    %get3A_26 = vector.load %arg7[%get3A_24, %get3A_25] : memref<128x128xf32, #tpu.memory_space<vmem>>, vector<128x128xf32>
    %dot_general3A_27 = arith.constant dense<0.000000e+00> : vector<1000x128xf32>
    %dot_general3A_28 = tpu.matmul %get3A_23, %get3A_26, %dot_general3A_27 {dimension_numbers = #tpu.dot_dimension_numbers<[1], [0], [0], [1], [0, 0, 1, 1], [], []>, transpose_lhs_hint = false} : vector<1000x128xf32>, vector<128x128xf32>, vector<1000x128xf32> -> vector<1000x128xf32>
    %add3A_29 = arith.addf %dot_general3A_20, %dot_general3A_28 : vector<1000x128xf32>
    %get3A_30 = arith.constant 0 : index
    %get3A_31 = arith.constant 0 : index
    %get3A_32 = vector.load %arg8[%get3A_30, %get3A_31] : memref<1x128xf32, #tpu.memory_space<vmem>>, vector<1x128xf32>
    %add3A_33 = vector.broadcast %get3A_32 : vector<1x128xf32> to vector<1000x128xf32>
    %add3A_34 = arith.addf %add3A_29, %add3A_33 : vector<1000x128xf32>
    %max3A_35 = arith.constant 0.000000e+00 : f32
    %max3A_36 = vector.broadcast %max3A_35 : f32 to vector<1000x128xf32>
    %max3A_37 = arith.maximumf %add3A_34, %max3A_36 : vector<1000x128xf32>
    %swap3A = arith.constant 0 : index
    %swap3A_38 = arith.constant 0 : index
    %swap3A_39 = vector.load %arg9[%swap3A, %swap3A_38] : memref<1000x128xf32, #tpu.memory_space<vmem>>, vector<1000x128xf32>
    tpu.vector_store %arg9[%swap3A, %swap3A_38], %max3A_37 {strides = array<i32>} : memref<1000x128xf32, #tpu.memory_space<vmem>>, vector<1000x128xf32>,
    return
  }
  func.func @transform_0(%arg0: i32) -> (i32, i32) {
    %c0_i32 = arith.constant 0 : i32
    %c0_i32_0 = arith.constant 0 : i32
    return %arg0, %c0_i32 : i32, i32
  }
  func.func @transform_1(%arg0: i32) -> (i32, i32) {
    %c0_i32 = arith.constant 0 : i32
    %c0_i32_0 = arith.constant 0 : i32
    return %arg0, %c0_i32 : i32, i32
  }
  func.func @transform_2(%arg0: i32) -> (i32, i32) {
    %c0_i32 = arith.constant 0 : i32
    %c0_i32_0 = arith.constant 0 : i32
    return %arg0, %c0_i32 : i32, i32
  }
  func.func @transform_3(%arg0: i32) -> (i32, i32) {
    %c0_i32 = arith.constant 0 : i32
    %c0_i32_0 = arith.constant 0 : i32
    return %arg0, %c0_i32 : i32, i32
  }
  func.func @transform_4(%arg0: i32) -> (i32, i32) {
    %c0_i32 = arith.constant 0 : i32
    %c0_i32_0 = arith.constant 0 : i32
    return %arg0, %c0_i32 : i32, i32
  }
  func.func @transform_5(%arg0: i32) -> (i32, i32) {
    %c0_i32 = arith.constant 0 : i32
    %c0_i32_0 = arith.constant 0 : i32
    %c0_i32_1 = arith.constant 0 : i32
    return %c0_i32, %c0_i32_0 : i32, i32
  }
  func.func @transform_6(%arg0: i32) -> (i32, i32) {
    %c0_i32 = arith.constant 0 : i32
    %c0_i32_0 = arith.constant 0 : i32
    %c0_i32_1 = arith.constant 0 : i32
    return %c0_i32, %c0_i32_0 : i32, i32
  }
  func.func @transform_7(%arg0: i32) -> (i32, i32) {
    %c0_i32 = arith.constant 0 : i32
    %c0_i32_0 = arith.constant 0 : i32
    %c0_i32_1 = arith.constant 0 : i32
    return %c0_i32, %c0_i32_0 : i32, i32
  }
  func.func @transform_8(%arg0: i32) -> (i32, i32) {
    %c0_i32 = arith.constant 0 : i32
    %c0_i32_0 = arith.constant 0 : i32
    return %arg0, %c0_i32 : i32, i32
  }
}

module attributes {stable_mosaic.version = 14 : i64} {
  func.func @_tc_final_body(%arg0: i32, %arg1: memref<1000x128xf32, #tpu.memory_space<vmem>>, %arg2: memref<1000x128xf32, #tpu.memory_space<vmem>>, %arg3: memref<1000x128xf32, #tpu.memory_space<vmem>>, %arg4: memref<1000x128xf32, #tpu.memory_space<vmem>>, %arg5: memref<1000x128xf32, #tpu.memory_space<vmem>>, %arg6: memref<128x128xf32, #tpu.memory_space<vmem>>, %arg7: memref<128x128xf32, #tpu.memory_space<vmem>>, %arg8: memref<1x128xf32, #tpu.memory_space<vmem>>, %arg9: memref<128x16xf32, #tpu.memory_space<vmem>>, %arg10: memref<1x16xf32, #tpu.memory_space<vmem>>, %arg11: memref<1000x128xf32, #tpu.memory_space<vmem>>, %arg12: memref<1000x16xf32, #tpu.memory_space<vmem>>) attributes {dimension_semantics = [#tpu.dimension_semantics<arbitrary>], iteration_bounds = array<i64: 10>, scalar_prefetch = 0 : i64, scratch_operands = 0 : i64, tpu.core_type = #tpu.core_type<tc>, window_params = [{transform_indices = @transform_0, window_bounds = array<i64: 1000, 128>}, {transform_indices = @transform_1, window_bounds = array<i64: 1000, 128>}, {transform_indices = @transform_2, window_bounds = array<i64: 1000, 128>}, {transform_indices = @transform_3, window_bounds = array<i64: 1000, 128>}, {transform_indices = @transform_4, window_bounds = array<i64: 1000, 128>}, {pipeline_mode = #tpu.pipeline_mode<synchronous>, transform_indices = @transform_5, window_bounds = array<i64: 128, 128>}, {pipeline_mode = #tpu.pipeline_mode<synchronous>, transform_indices = @transform_6, window_bounds = array<i64: 128, 128>}, {pipeline_mode = #tpu.pipeline_mode<synchronous>, transform_indices = @transform_7, window_bounds = array<i64: 1, 128>}, {pipeline_mode = #tpu.pipeline_mode<synchronous>, transform_indices = @transform_8, window_bounds = array<i64: 128, 16>}, {pipeline_mode = #tpu.pipeline_mode<synchronous>, transform_indices = @transform_9, window_bounds = array<i64: 1, 16>}, {transform_indices = @transform_10, window_bounds = array<i64: 1000, 128>}, {transform_indices = @transform_11, window_bounds = array<i64: 1000, 16>}]} {
    %get3A = arith.constant 0 : index
    %get3A_0 = arith.constant 0 : index
    %get3A_1 = vector.load %arg2[%get3A, %get3A_0] : memref<1000x128xf32, #tpu.memory_space<vmem>>, vector<1000x128xf32>
    %get3A_2 = arith.constant 0 : index
    %get3A_3 = arith.constant 0 : index
    %get3A_4 = vector.load %arg3[%get3A_2, %get3A_3] : memref<1000x128xf32, #tpu.memory_space<vmem>>, vector<1000x128xf32>
    %add3A = arith.addf %get3A_1, %get3A_4 : vector<1000x128xf32>
    %get3A_5 = arith.constant 0 : index
    %get3A_6 = arith.constant 0 : index
    %get3A_7 = vector.load %arg4[%get3A_5, %get3A_6] : memref<1000x128xf32, #tpu.memory_space<vmem>>, vector<1000x128xf32>
    %get3A_8 = arith.constant 0 : index
    %get3A_9 = arith.constant 0 : index
    %get3A_10 = vector.load %arg5[%get3A_8, %get3A_9] : memref<1000x128xf32, #tpu.memory_space<vmem>>, vector<1000x128xf32>
    %add3A_11 = arith.addf %get3A_7, %get3A_10 : vector<1000x128xf32>
    %slice3A = vector.extract_strided_slice %add3A_11 {offsets = [0, 0], sizes = [1000, 1], strides = [1, 1]} : vector<1000x128xf32> to vector<1000x1xf32>
    %max3A = arith.constant 1.000000e+00 : f32
    %max3A_12 = vector.broadcast %max3A : f32 to vector<1000x1xf32>
    %max3A_13 = arith.maximumf %slice3A, %max3A_12 : vector<1000x1xf32>
    %div3A = arith.constant 1.000000e+00 : f32
    %div3A_14 = vector.broadcast %div3A : f32 to vector<1000x1xf32>
    %div3A_15 = arith.divf %div3A_14, %max3A_13 : vector<1000x1xf32>
    %mul3A = vector.broadcast %div3A_15 : vector<1000x1xf32> to vector<1000x128xf32>
    %mul3A_16 = arith.mulf %add3A, %mul3A : vector<1000x128xf32>
    %get3A_17 = arith.constant 0 : index
    %get3A_18 = arith.constant 0 : index
    %get3A_19 = vector.load %arg6[%get3A_17, %get3A_18] : memref<128x128xf32, #tpu.memory_space<vmem>>, vector<128x128xf32>
    %dot_general3A = arith.constant dense<0.000000e+00> : vector<1000x128xf32>
    %dot_general3A_20 = tpu.matmul %mul3A_16, %get3A_19, %dot_general3A {dimension_numbers = #tpu.dot_dimension_numbers<[1], [0], [0], [1], [0, 0, 1, 1], [], []>, transpose_lhs_hint = false} : vector<1000x128xf32>, vector<128x128xf32>, vector<1000x128xf32> -> vector<1000x128xf32>
    %get3A_21 = arith.constant 0 : index
    %get3A_22 = arith.constant 0 : index
    %get3A_23 = vector.load %arg1[%get3A_21, %get3A_22] : memref<1000x128xf32, #tpu.memory_space<vmem>>, vector<1000x128xf32>
    %get3A_24 = arith.constant 0 : index
    %get3A_25 = arith.constant 0 : index
    %get3A_26 = vector.load %arg7[%get3A_24, %get3A_25] : memref<128x128xf32, #tpu.memory_space<vmem>>, vector<128x128xf32>
    %dot_general3A_27 = arith.constant dense<0.000000e+00> : vector<1000x128xf32>
    %dot_general3A_28 = tpu.matmul %get3A_23, %get3A_26, %dot_general3A_27 {dimension_numbers = #tpu.dot_dimension_numbers<[1], [0], [0], [1], [0, 0, 1, 1], [], []>, transpose_lhs_hint = false} : vector<1000x128xf32>, vector<128x128xf32>, vector<1000x128xf32> -> vector<1000x128xf32>
    %add3A_29 = arith.addf %dot_general3A_20, %dot_general3A_28 : vector<1000x128xf32>
    %get3A_30 = arith.constant 0 : index
    %get3A_31 = arith.constant 0 : index
    %get3A_32 = vector.load %arg8[%get3A_30, %get3A_31] : memref<1x128xf32, #tpu.memory_space<vmem>>, vector<1x128xf32>
    %add3A_33 = vector.broadcast %get3A_32 : vector<1x128xf32> to vector<1000x128xf32>
    %add3A_34 = arith.addf %add3A_29, %add3A_33 : vector<1000x128xf32>
    %swap3A = arith.constant 0 : index
    %swap3A_35 = arith.constant 0 : index
    %swap3A_36 = vector.load %arg11[%swap3A, %swap3A_35] : memref<1000x128xf32, #tpu.memory_space<vmem>>, vector<1000x128xf32>
    tpu.vector_store %arg11[%swap3A, %swap3A_35], %add3A_34 {strides = array<i32>} : memref<1000x128xf32, #tpu.memory_space<vmem>>, vector<1000x128xf32>,
    %get3A_37 = arith.constant 0 : index
    %get3A_38 = arith.constant 0 : index
    %get3A_39 = vector.load %arg9[%get3A_37, %get3A_38] : memref<128x16xf32, #tpu.memory_space<vmem>>, vector<128x16xf32>
    %dot_general3A_40 = arith.constant dense<0.000000e+00> : vector<1000x16xf32>
    %dot_general3A_41 = tpu.matmul %add3A_34, %get3A_39, %dot_general3A_40 {dimension_numbers = #tpu.dot_dimension_numbers<[1], [0], [0], [1], [0, 0, 1, 1], [], []>, transpose_lhs_hint = false} : vector<1000x128xf32>, vector<128x16xf32>, vector<1000x16xf32> -> vector<1000x16xf32>
    %get3A_42 = arith.constant 0 : index
    %get3A_43 = arith.constant 0 : index
    %get3A_44 = vector.load %arg10[%get3A_42, %get3A_43] : memref<1x16xf32, #tpu.memory_space<vmem>>, vector<1x16xf32>
    %add3A_45 = vector.broadcast %get3A_44 : vector<1x16xf32> to vector<1000x16xf32>
    %add3A_46 = arith.addf %dot_general3A_41, %add3A_45 : vector<1000x16xf32>
    %reduce_max3A = arith.constant dense<0xFF800000> : vector<1000xf32>
    %reduce_max3A_47 = vector.multi_reduction <maximumf>, %add3A_46, %reduce_max3A [1] : vector<1000x16xf32> to vector<1000xf32>
    %broadcast_in_dim3A = vector.shape_cast %reduce_max3A_47 : vector<1000xf32> to vector<1000x1xf32>
    %sub3A = vector.broadcast %broadcast_in_dim3A : vector<1000x1xf32> to vector<1000x16xf32>
    %sub3A_48 = arith.subf %add3A_46, %sub3A : vector<1000x16xf32>
    %exp3A = math.exp %sub3A_48 : vector<1000x16xf32>
    %reduce_sum3A = arith.constant dense<0.000000e+00> : vector<1000xf32>
    %reduce_sum3A_49 = vector.multi_reduction <add>, %exp3A, %reduce_sum3A [1] : vector<1000x16xf32> to vector<1000xf32>
    %broadcast_in_dim3A_50 = vector.shape_cast %reduce_sum3A_49 : vector<1000xf32> to vector<1000x1xf32>
    %log3A = math.log %broadcast_in_dim3A_50 : vector<1000x1xf32>
    %add3A_51 = arith.addf %broadcast_in_dim3A, %log3A : vector<1000x1xf32>
    %sub3A_52 = vector.broadcast %add3A_51 : vector<1000x1xf32> to vector<1000x16xf32>
    %sub3A_53 = arith.subf %add3A_46, %sub3A_52 : vector<1000x16xf32>
    %swap3A_54 = arith.constant 0 : index
    %swap3A_55 = arith.constant 0 : index
    %swap3A_56 = vector.load %arg12[%swap3A_54, %swap3A_55] : memref<1000x16xf32, #tpu.memory_space<vmem>>, vector<1000x16xf32>
    tpu.vector_store %arg12[%swap3A_54, %swap3A_55], %sub3A_53 {strides = array<i32>} : memref<1000x16xf32, #tpu.memory_space<vmem>>, vector<1000x16xf32>,
    return
  }
  func.func @transform_0(%arg0: i32) -> (i32, i32) {
    %c0_i32 = arith.constant 0 : i32
    %c0_i32_0 = arith.constant 0 : i32
    return %arg0, %c0_i32 : i32, i32
  }
  func.func @transform_1(%arg0: i32) -> (i32, i32) {
    %c0_i32 = arith.constant 0 : i32
    %c0_i32_0 = arith.constant 0 : i32
    return %arg0, %c0_i32 : i32, i32
  }
  func.func @transform_2(%arg0: i32) -> (i32, i32) {
    %c0_i32 = arith.constant 0 : i32
    %c0_i32_0 = arith.constant 0 : i32
    return %arg0, %c0_i32 : i32, i32
  }
  func.func @transform_3(%arg0: i32) -> (i32, i32) {
    %c0_i32 = arith.constant 0 : i32
    %c0_i32_0 = arith.constant 0 : i32
    return %arg0, %c0_i32 : i32, i32
  }
  func.func @transform_4(%arg0: i32) -> (i32, i32) {
    %c0_i32 = arith.constant 0 : i32
    %c0_i32_0 = arith.constant 0 : i32
    return %arg0, %c0_i32 : i32, i32
  }
  func.func @transform_5(%arg0: i32) -> (i32, i32) {
    %c0_i32 = arith.constant 0 : i32
    %c0_i32_0 = arith.constant 0 : i32
    %c0_i32_1 = arith.constant 0 : i32
    return %c0_i32, %c0_i32_0 : i32, i32
  }
  func.func @transform_6(%arg0: i32) -> (i32, i32) {
    %c0_i32 = arith.constant 0 : i32
    %c0_i32_0 = arith.constant 0 : i32
    %c0_i32_1 = arith.constant 0 : i32
    return %c0_i32, %c0_i32_0 : i32, i32
  }
  func.func @transform_7(%arg0: i32) -> (i32, i32) {
    %c0_i32 = arith.constant 0 : i32
    %c0_i32_0 = arith.constant 0 : i32
    %c0_i32_1 = arith.constant 0 : i32
    return %c0_i32, %c0_i32_0 : i32, i32
  }
  func.func @transform_8(%arg0: i32) -> (i32, i32) {
    %c0_i32 = arith.constant 0 : i32
    %c0_i32_0 = arith.constant 0 : i32
    %c0_i32_1 = arith.constant 0 : i32
    return %c0_i32, %c0_i32_0 : i32, i32
  }
  func.func @transform_9(%arg0: i32) -> (i32, i32) {
    %c0_i32 = arith.constant 0 : i32
    %c0_i32_0 = arith.constant 0 : i32
    %c0_i32_1 = arith.constant 0 : i32
    return %c0_i32, %c0_i32_0 : i32, i32
  }
  func.func @transform_10(%arg0: i32) -> (i32, i32) {
    %c0_i32 = arith.constant 0 : i32
    %c0_i32_0 = arith.constant 0 : i32
    return %arg0, %c0_i32 : i32, i32
  }
  func.func @transform_11(%arg0: i32) -> (i32, i32) {
    %c0_i32 = arith.constant 0 : i32
    %c0_i32_0 = arith.constant 0 : i32
    return %arg0, %c0_i32 : i32, i32
  }
}

</mosaic_0001>

<sc_bundles>
// kernel: kernel.12.cloned.1.call-start
scs
__scs_entry_jumppad:
0x0: {  	(pc) =	sbr.rel $0x88, $3  }
0x1: {  	(tag) =	ssettag $0x0;
	lr =	simm.s32 $0x1  }
0x2: {  	[smem:$0x3F94] =	sst lr;
	_ =	strace $0xD0000000  }
0x3: {  	_ = 	snop  }
0x4: {  	_ = 	snop  }
0x5: {  	_ = 	snop  }
0x6: {  	_ = 	snop  }
0x7: {  	_ = 	snop  }
__scs_overlays_trampoline_lowered:
0x8: {  	[smem:$0x3FA3] =	sst s0  }
0x9: {  	[smem:$0x3FA4] =	sst s1  }
0xa: {  	[smem:$0x3FA5] =	sst s2  }
0xb: {  	[smem:$0x3FA6] =	sst s3  }
0xc: {  	[smem:$0x3FA7] =	sst s4  }
0xd: {  	[smem:$0x3FA8] =	sst s5  }
0xe: {  	[smem:$0x3FA9] =	sst s6  }
0xf: {  	[smem:$0x3FAA] =	sst s7  }
0x10: {  	[smem:$0x3FAB] =	sst s8  }
0x11: {  	[smem:$0x3FAC] =	sst s9;
	s0 =	simm.s32 @!p0 $0x0  }
0x12: {  	s1 =	sld [smem:$0x3F92];
	s0 =	simm.s32 @p0 $0x1  }
0x13: {  	[smem:$0x3FAD] =	sst s0;
	s0 =	simm.s32 @!p1 $0x0  }
0x14: {  	s2 =	sld [smem:$0x3F91];
	s0 =	simm.s32 @p1 $0x1  }
0x15: {  	[smem:$0x3FAE] =	sst s0;
	s0 =	simm.s32 @!p2 $0x0  }
0x16: {  	s3 =	sld [smem:$0x3FDB];
	s0 =	simm.s32 @p2 $0x1  }
0x17: {  	s4 =	simm.s32 $0x1BF5;
	[smem:$0x3FB0] =	sst s0  }
0x18: {  	s0 =	sld [smem:$0x3F93];
	_ =	swait.ge [sflag:s4], $0x0  }
0x19: {  	s7 =	sld [smem:$0x3F94]  }
0x1a: {  	s8 =	sadd.s32 $0xFFFFE003, lr  }
0x1b: {  	s9 =	sadd.s32 $0xFFFFFEF7, lr;
	s5 =	simm.s32 $0xFFFFFFFF;
	p2 =	slt.u32 s8, $0xFFFFF086  }
0x1c: {  	p1 =	slt.u32 s9, $0xF7A;
	s5 =	simm.s32 @!p2 $0x0  }
0x1d: {  	s5 =	simm.s32 @p1 $0x1;
	p0 =	seq.s32 s7, s2  }
0x1e: {  	s7 =	smul.u32 @!p0 $0xF7A, s2;
	p2 =	seq.s32 @!p0 s5, $0x0  }
0x1f: {  	s9 =	smul.u32 $0xF7A, s1;
	s8 =	simm.s32 @!p0 $0x1BF5;
	p2 =	por !p2, p0  }
0x20: {  	[sflag:s8] =	ssyncset.s32 @!p0 $0xFFFFF086;
	s6 =	sadd.s32 @!p0 s3, s7;
	s7 =	simm.s32 @!p0 $0x108  }
0x21: {  	s3 =	sadd.s32 s3, s9;
	s6 =	sadd.s32 @!p0 $0x88, s6;
	s7 =	simm.s32 @p2 $0x1082  }
0x22: {  	[simem:s7], [sflag:s8] =	dma.local @!p0 [hbm:s6], $0xF7A  }
0x23: {  	s9 =	sor.u32 $0xD0000000, s2;
	s6 =	simm.s32 $0x108;
	_ =	swait.ge @!p0 [sflag:s8], $0x0  }
0x24: {  	s3 =	sadd.s32 $0x88, s3;
	s6 =	simm.s32 @!p1 $0x1082;
	[sflag:s4] =	ssyncset.s32 $0xFFFFF086  }
0x25: {  	[simem:s6], [sflag:s4] =	dma.local [hbm:s3], $0xF7A  }
0x26: {  	[smem:$0x3F94] =	sst s1;
	(tag) =	ssettag s2;
	_ =	strace s9  }
0x27: {  	s1 =	sld [smem:$0x3FA4]  }
0x28: {  	s2 =	sld [smem:$0x3FA5]  }
0x29: {  	s4 =	sld [smem:$0x3FA7]  }
0x2a: {  	p0 =	seq.s32 s5, $0x0;
	s5 =	sld [smem:$0x3FA8]  }
0x2b: {  	s6 =	sld [smem:$0x3FA9]  }
0x2c: {  	s7 =	sld [smem:$0x3FAA]  }
0x2d: {  	s3 =	simm.s32 $0x108;
	s8 =	sld [smem:$0x3FAB]  }
0x2e: {  	s3 =	simm.s32 @!p0 $0x1082;
	s9 =	sld [smem:$0x3FAC]  }
0x2f: {  	lr =	sadd.s32 s0, s3;
	s0 =	sld [smem:$0x3FA3]  }
0x30: {  	s3 =	sld [smem:$0x3FA6]  }
0x31: {  	[smem:$0x3FAF] =	sst s10  }
0x32: {  	s10 =	sld [smem:$0x3FAD];
	_ =	sdelay $0x3  }
0x33: {  	p0 =	seq.s32 s10, $0x1;
	s10 =	sld [smem:$0x3FAF];
	_ =	sdelay $0x3  }
0x34: {  	[smem:$0x3FAF] =	sst s10  }
0x35: {  	s10 =	sld [smem:$0x3FAE];
	_ =	sdelay $0x3  }
0x36: {  	p1 =	seq.s32 s10, $0x1;
	s10 =	sld [smem:$0x3FAF];
	_ =	sdelay $0x3  }
0x37: {  	[smem:$0x3FAF] =	sst s10  }
0x38: {  	s10 =	sld [smem:$0x3FB0]  }
0x39: {  	_ = 	snop;
	(pc) =	sbr.ind lr, $3  }
0x3a: {  	_ = 	snop  }
0x3b: {  	_ = 	snop  }
0x3c: {  	p2 =	seq.s32 s10, $0x1;
	s10 =	sld [smem:$0x3FAF]  }
0x3d: {  	_ =	shalt  }
0x3e: {  	_ =	shalt  }
0x3f: {  	_ =	shalt  }
0x40: {  	_ =	shalt  }
0x41: {  	_ =	shalt  }
0x42: {  	_ =	shalt  }
0x43: {  	_ =	shalt  }
0x44: {  	_ =	shalt  }
0x45: {  	_ =	shalt  }
0x46: {  	_ =	shalt  }
0x47: {  	_ =	shalt  }
0x48: {  	_ =	shalt  }
0x49: {  	_ =	shalt  }
0x4a: {  	_ =	shalt  }
0x4b: {  	_ =	shalt  }
0x4c: {  	_ =	shalt  }
0x4d: {  	_ =	shalt  }
0x4e: {  	_ =	shalt  }
0x4f: {  	_ =	shalt  }
0x50: {  	_ =	shalt  }
0x51: {  	_ =	shalt  }
0x52: {  	_ =	shalt  }
0x53: {  	_ =	shalt  }
0x54: {  	_ =	shalt  }
0x55: {  	_ =	shalt  }
0x56: {  	_ =	shalt  }
0x57: {  	_ =	shalt  }
0x58: {  	_ =	shalt  }
0x59: {  	_ =	shalt  }
0x5a: {  	_ =	shalt  }
0x5b: {  	_ =	shalt  }
0x5c: {  	_ =	shalt  }
0x5d: {  	_ =	shalt  }
0x5e: {  	_ =	shalt  }
0x5f: {  	_ =	shalt  }
0x60: {  	_ =	shalt  }
0x61: {  	_ =	shalt  }
0x62: {  	_ =	shalt  }
0x63: {  	_ =	shalt  }
0x64: {  	_ =	shalt  }
0x65: {  	_ =	shalt  }
0x66: {  	_ =	shalt  }
0x67: {  	_ =	shalt  }
0x68: {  	_ =	shalt  }
0x69: {  	_ =	shalt  }
0x6a: {  	_ =	shalt  }
0x6b: {  	_ =	shalt  }
0x6c: {  	_ =	shalt  }
0x6d: {  	_ =	shalt  }
0x6e: {  	_ =	shalt  }
0x6f: {  	_ =	shalt  }
0x70: {  	_ =	shalt  }
0x71: {  	_ =	shalt  }
0x72: {  	_ =	shalt  }
0x73: {  	_ =	shalt  }
0x74: {  	_ =	shalt  }
0x75: {  	_ =	shalt  }
0x76: {  	_ =	shalt  }
0x77: {  	_ =	shalt  }
0x78: {  	_ =	shalt  }
0x79: {  	_ =	shalt  }
0x7a: {  	_ =	shalt  }
0x7b: {  	_ =	shalt  }
0x7c: {  	_ =	shalt  }
0x7d: {  	_ =	shalt  }
0x7e: {  	_ =	shalt  }
0x7f: {  	_ =	shalt  }
0x80: {  	_ =	shalt  }
0x81: {  	_ =	shalt  }
0x82: {  	_ =	shalt  }
0x83: {  	_ =	shalt  }
0x84: {  	_ =	shalt  }
0x85: {  	_ =	shalt  }
0x86: {  	_ =	shalt  }
0x87: {  	_ =	shalt  }
.Lfunc_end0:
.L_simem_size_0:
called_computation.1_lowered:
.L_overlay_start_0:
0x88: {  	s2 =	sld [smem:$0x3FD9]  }
0x89: {  	s3 =	sld [smem:$0x3FFE];
	_ =	sdelay $0x1  }
0x8a: {  	s1 =	srdreg.scid  }
0x8b: {  	s0 =	sand.u32 $0x1, s1  }
0x8c: {  	s14 =	sshll.u32 s0, $0xA;
	s2 =	sadd.s32 s3, s2  }
0x8d: {  	s2 =	sadd.s32 s2, s14  }
0x8e: {  	[smem:$0x3FBB] =	sst s2  }
0x8f: {  	_ = 	snop  }
0x90: {  	s2 =	sld [smem:$0x3FD0];
	_ =	sdelay $0x2  }
0x91: {  	s4 =	simm.s32 $0xB;
	s5 =	simm.s32 $0x10;
	s15 =	sld [smem:$0x3FC9]  }
0x92: {  	[smem:s5], [sflag:s4] =	dma.local [hbm:s2], $0x1  }
0x93: {  	_ =	swait.eq [sflag:s4], $0x1  }
0x94: {  	[sflag:s4] =	ssyncset.done $0x0  }
0x95: {  	[sflag:s4] =	ssyncadd.s32 $0xFFFFFFFF  }
0x96: {  	s16 =	sld [smem:$0x11];
	(tm) =	ssettm $0x1  }
0x97: {  	s17 =	sld [smem:$0x3FFB];
	_ =	sdelay $0x3  }
0x98: {  	_ =	strace s17  }
0x99: {  	s4 =	sld [smem:$0x3FFC];
	_ =	sdelay $0x3  }
0x9a: {  	_ =	strace s4  }
0x9b: {  	s4 =	sld [smem:$0x3FFD];
	_ =	sdelay $0x3  }
0x9c: {  	_ =	strace s4  }
0x9d: {  	_ =	strace $0x8FFFFFFF  }
0x9e: {  	s18 =	sld [smem:$0x3FDB];
	_ =	sdelay $0x1  }
0x9f: {  	s19 =	simm.s32 $_scs_section_size  }
0xa0: {  	s6 =	simm.s32 $_size__tile_overlayer_lowered;
	s7 =	simm.s32 $_tile_overlayer_lowered  }
0xa1: {  	s22 =	simm.s32 $0x1BFF;
	s21 =	sshll.u32 s7, $0x1;
	s4 =	sadd.s32 s19, s18  }
0xa2: {  	s8 =	simm.s32 $0x0;
	s20 =	sshll.u32 s6, $0x1;
	s6 =	sadd.s32 s21, s4  }
0xa3: {  	[timem:s8], [sflag:s22] =	dma.local [hbm:s6], s20  }
0xa4: {  	_ =	swait.ge [sflag:s22], s20  }
0xa5: {  	s5 =	ssub.s32 $0x0, s20;
	[sflag:s22] =	ssyncset.done $0x0  }
0xa6: {  	[sflag:s22] =	ssyncadd.s32 s5;
	_ =	sdelay $0x1  }
0xa7: {  	s23 =	simm.s32 $0x1B8B  }
0xa8: {  	_ =	swait.ge [sflag:s23], $0x1  }
0xa9: {  	[sflag:s23] =	ssyncset.done $0x0  }
0xaa: {  	s25 =	simm.s32 $0x1B8E;
	s24 =	sld [smem:$0x3FFE];
	[sflag:s23] =	ssyncadd.s32 $0xFFFFFFFF  }
0xab: {  	s26 =	simm.s32 $execute0_lowered;
	[smem:$0x3FD2] =	sst s25  }
0xac: {  	s6 =	sshll.u32 s26, $0x1;
	_ =	strace $0x80000046;
	[dreg:$0x1] =	wrdreg $0xFFFFFFFF  }
0xad: {  	s28 =	simm.s32 $_size_execute0_lowered;
	s4 =	sadd.s32 s4, s6;
	[dreg:$0x0] =	wrdreg $0x0  }
0xae: {  	s6 =	sshll.u32 s28, $0x1;
	[dreg:$0x2] =	wrdreg s4  }
0xaf: {  	[dreg:$0x3] =	wrdreg s6  }
0xb0: {  	[dreg:$0x4] =	wrdreg $0xC0  }
0xb1: {  	_ =	task [dreg:s8], $0x5FFFF  }
0xb2: {  	[dreg:$0x1] =	wrdreg $0xFFFFFFFF  }
0xb3: {  	[dreg:$0x0] =	wrdreg $0x60  }
0xb4: {  	[dreg:$0x2] =	wrdreg s15  }
0xb5: {  	[dreg:$0x3] =	wrdreg s24  }
0xb6: {  	[dreg:$0x4] =	wrdreg s16  }
0xb7: {  	[dreg:$0x5] =	wrdreg $0x9C000  }
0xb8: {  	[dreg:$0x6] =	wrdreg $0xA  }
0xb9: {  	_ =	task.clear_ibuf [dreg:s8], $0x7FFFF;
	_ =	strace $0x90000046  }
0xba: {  	s29 =	simm.s32 $0xA;
	_ =	strace $0x80000048  }
0xbb: {  	_ =	swait.ge [sflag:s29], $0x1  }
0xbc: {  	[sflag:s29] =	ssyncadd.s32 $0xFFFFFFFF  }
0xbd: {  	_ =	strace $0x90000048  }
0xbe: {  	_ =	sfence  }
0xbf: {  	s30 =	sld [smem:$0x0];
	_ =	sdelay $0x2  }
0xc0: {  	s31 =	sshll.u32 s1, $0xD;
	s1 =	sshrl.u32 s1, $0x2  }
0xc1: {  	s3 =	sand.u32 $0x4000, s31;
	s1 =	sadd.s32 s1, s30  }
0xc2: {  	s0 =	sor.u32 s3, s0;
	s1 =	sshll.u32 s1, $0x11  }
0xc3: {  	s0 =	sor.u32 s1, s0  }
0xc4: {  	s0 =	sadd.s32 $0x8F2B, s0  }
0xc5: {  	[sflag:s0] =	ssyncadd.remote.s32 $0x1  }
0xc6: {  	_ =	sfence.sel $0xFFFF  }
0xc7: {  	[dreg:$0x0] =	wrdreg $0xFFFFFFFF;
	(pc) =	sbr.abs _section_cstart, $3  }
0xc8: {  	[dreg:$0x1] =	wrdreg $0xFFFFFFFF  }
0xc9: {  	_ =	task.clear_ibuf [dreg:s8], $0x2FFFF;
	_ =	strace $0x9FFFFFFF  }
0xca: {  	(tm) =	ssettm $0x7FFFFFFF  }
0xcb: {  	_ =	shalt  }
tec
execute0_lowered:
.L_overlay_start_1:
0x0: {  	(tag) =	ssettag $0x1  }
0x1: {  	s1 =	rddreg [dreg:$0x0]  }
0x2: {  	s6 =	rddreg [dreg:$0x1]  }
0x3: {  	s2 =	rddreg [dreg:$0x2]  }
0x4: {  	s3 =	rddreg [dreg:$0x3]  }
0x5: {  	s4 =	srdreg.scid;
	s0 =	rddreg [dreg:$0x4]  }
0x6: {  	s5 =	simm.s32 $0x0;
	s14 =	simm.s32 $0x64;
	s15 =	simm.s32 $0x6800  }
0x7: {  	s16 =	simm.s32 $0x1;
	s7 =	sand.u32 $0x1, s4;
	s4 =	stileid.u32  }
0x8: {  	s17 =	simm.s32 $0x0;
	[smem:$0x7FF] =	sst s5;
	s8 =	smul.u32 $0x140000, s7  }
0x9: {  	s9 =	sshll.u32 s4, $0x1;
	s10 =	smul.u32 $0x14000, s4;
	_ =	strace $0x80000047  }
0xa: {  	s11 =	smul.u32 $0x50000, s4;
	s12 =	sshll.u32 s4, $0x6;
	s9 =	sor.u32 s7, s9  }
0xb: {  	s7 =	ssub.s32 $0x2, s7;
	s12 =	sor.u32 $0x1C02, s12;
	s9 =	smul.u32 $0x680, s9  }
0xc: {  	s8 =	sadd.s32 s10, s8;
	s30 =	sshrl.u32 s7, $0x1;
	s31 =	sshrl.u32 s11, $0x2  }
0xd: {  	s11 =	simm.s32 $0x3400;
	s8 =	sshrl.u32 s8, $0x3;
	s10 =	ssub.s32 s7, s30  }
0xe: {  	s13 =	sadd.s32 s31, s3;
	s9 =	sadd.s32 s9, s6;
	s8 =	sadd.s32 s8, s6  }
0xf: {  	s13 =	sshrl.u32 s13, $0x3;
	s6 =	sadd.s32 $0x11200, s9;
	s7 =	sadd.s32 $0x4200, s9  }
0x10: {  	s8 =	sadd.s32 $0x1E200, s8;
	s9 =	smax.u32 s10, $0x1;
	s10 =	simm.s32 $0x2  }
.LBB2_1:
0x11: {  	[tilespmem:s5], [sflag:$0x2] =	stream.linear.gather [hbm4b:s6+s5], $0x3200, $0x38;
	[tilespmem:$0x1DC00] =	vst v63  }
0x12: {  	_ =	swait.ge [sflag:s10], $0x3200  }
0x13: {  	[sflag:s10] =	ssyncset.done $0x0  }
0x14: {  	[sflag:s10] =	ssyncadd.s32 $0xFFFFCE00  }
0x15: {  	[tilespmem:s11], [sflag:$0x2] =	stream.linear.gather [hbm4b:s7+s5], $0x3200, $0x38;
	[tilespmem:$0x1DC00] =	vst v63  }
0x16: {  	_ =	swait.ge [sflag:s10], $0x3200  }
0x17: {  	[sflag:s10] =	ssyncset.done $0x0  }
0x18: {  	[sflag:s10] =	ssyncadd.s32 $0xFFFFCE00  }
0x19: {  	[spmem:s13], [sflag:s12] =	dma.local [hbm:s2], $0x2800  }
0x1a: {  	_ =	swait.ge [sflag:s10], $0x2800  }
0x1b: {  	[sflag:s10] =	ssyncset.done $0x0  }
0x1c: {  	[sflag:s10] =	ssyncadd.s32 $0xFFFFD800  }
0x1d: {  	s18 =	simm.s32 $0x0;
	[bflag:$0x0] =	sbarrier.arrive $0xFFFF  }
0x1e: {  	[tilespmem:s15], [sflag:$0x1] =	stream.indirect.gather [hbm4b:s1+s14], $0x80, s18, s14, $0xb8;
	[tilespmem:$0x1DC00] =	vst v63  }
0x1f: {  	_ =	swait.ge [sflag:s16], $0x3200  }
0x20: {  	[sflag:s16] =	ssyncset.done $0x0  }
0x21: {  	s31 =	simm.s32 $0x3400;
	[sflag:s16] =	ssyncadd.s32 $0xFFFFCE00  }
0x22: {  	[spmem:s3] =	stream.indirect.scatter.add.f32 [tilespmem:s15], [sflag:$0x2], $0x80, s31, s14, $0xb8;
	[tilespmem:$0x1DC00] =	vst v63  }
0x23: {  	_ =	swait.ge [sflag:s10], $0x3200  }
0x24: {  	s19 =	simm.s32 $0x400;
	s18 =	simm.s32 $0x200;
	[sflag:s10] =	ssyncset.done $0x0  }
.LBB2_2:
0x25: {  	s20 =	sshra.s32 s18, $0x2  }
0x26: {  	[sflag:s10] =	ssyncadd.s32 $0xFFFFCE00;
	s18 =	smov.u32 s19;
	s21 =	sadd.s32 $0x200, s19  }
0x27: {  	[tilespmem:s15], [sflag:$0x1] =	stream.indirect.gather [hbm4b:s1+s14], $0x80, s20, s14, $0xb8;
	[tilespmem:$0x1DC00] =	vst v63  }
0x28: {  	p0 =	sne.s32 s19, $0xC600;
	_ =	swait.ge [sflag:s16], $0x3200  }
.Ltmp0:
0x29: {  	[sflag:s16] =	ssyncset.done $0x0;
	(pc) =	sbr.rel @p0 .LBB2_2-.Ltmp0, $4  }
0x2a: {  	s19 =	sadd.s32 $0x3400, s20;
	[sflag:s16] =	ssyncadd.s32 $0xFFFFCE00  }
0x2b: {  	[spmem:s3] =	stream.indirect.scatter.add.f32 [tilespmem:s15], [sflag:$0x2], $0x80, s19, s14, $0xb8;
	[tilespmem:$0x1DC00] =	vst v63  }
0x2c: {  	_ =	swait.ge [sflag:s10], $0x3200  }
0x2d: {  	s19 =	smov.u32 s21;
	[sflag:s10] =	ssyncset.done $0x0  }
0x2e: {  	s18 =	sshra.s32 s18, $0x2;
	[sflag:s10] =	ssyncadd.s32 $0xFFFFCE00  }
0x2f: {  	[tilespmem:s15], [sflag:$0x1] =	stream.indirect.gather [hbm4b:s1+s14], $0x80, s18, s14, $0xb8;
	[tilespmem:$0x1DC00] =	vst v63  }
0x30: {  	_ =	swait.ge [sflag:s16], $0x3200  }
0x31: {  	[sflag:s16] =	ssyncset.done $0x0  }
0x32: {  	s18 =	sadd.s32 $0x3400, s18;
	[sflag:s16] =	ssyncadd.s32 $0xFFFFCE00  }
0x33: {  	[spmem:s3] =	stream.indirect.scatter.add.f32 [tilespmem:s15], [sflag:$0x2], $0x80, s18, s14, $0xb8;
	[tilespmem:$0x1DC00] =	vst v63  }
0x34: {  	_ =	swait.ge [sflag:s10], $0x3200  }
0x35: {  	s17 =	sadd.s32 $0x1, s17;
	[sflag:s10] =	ssyncset.done $0x0  }
0x36: {  	p0 =	sne.s32 s17, s9;
	[sflag:s10] =	ssyncadd.s32 $0xFFFFCE00  }
.Ltmp1:
0x37: {  	[bflag:$0x0] =	sbarrier.arrive $0xFFFF;
	(pc) =	sbr.rel @p0 .LBB2_1-.Ltmp1, $4  }
0x38: {  	[hbm:s8], [sflag:s12] =	dma.local [spmem:s13], $0x2800  }
0x39: {  	_ =	swait.ge [sflag:s10], $0x2800  }
0x3a: {  	[sflag:s10] =	ssyncset.done $0x0  }
0x3b: {  	[sflag:s10] =	ssyncadd.s32 $0xFFFFD800  }
0x3c: {  	_ =	sfence.sel $0x180000  }
0x3d: {  	[bflag:$0x0] =	sbarrier.arrive $0xFFFF  }
0x3e: {  	p0 =	sne.s32 s4, $0x0;
	_ =	strace $0x90000047  }
0x3f: {  	s0 =	sadd.s32 @!p0 $0x100000, s0;
	[bflag:$0x2] =	sbarrier.arrive $0xFFFF  }
0x40: {  	[sflag:s0] =	ssyncadd.tile.s32 @!p0 $0x1;
	_ =	shalt  }
.Lfunc_end2:
_tile_overlayer_lowered:
.L_overlay_start_2:
0x41: {  	(tag) =	ssettag $0x2  }
0x42: {  	s0 =	rddreg [dreg:$0x0];
	s2 =	stileid.u32  }
0x43: {  	s1 =	rddreg [dreg:$0x1];
	p0 =	sne.s32 s2, $0x0  }
0x44: {  	s3 =	rddreg [dreg:$0x2];
	[bflag:$0x3] =	sbarrier.arrive $0xFFFF;
	s2 =	simm.s32 @!p0 $0x1C02  }
0x45: {  	[timem:s3], [sflag:s2] =	dma.local @!p0 [hbm:s0], s1  }
0x46: {  	s0 =	simm.s32 @!p0 $0x2  }
0x47: {  	_ =	swait.ge @!p0 [sflag:s0], s1  }
0x48: {  	s1 =	ssub.s32 @!p0 $0x0, s1;
	[sflag:s0] =	ssyncset.done @!p0 $0x0  }
0x49: {  	[sflag:s0] =	ssyncadd.s32 @!p0 s1  }
0x4a: {  	[bflag:$0x3] =	sbarrier.arrive $0xFFFF  }
0x4b: {  	_ =	shalt  }

// kernel: kernel.15.cloned.1.call-start
scs
__scs_entry_jumppad:
0x0: {  	(pc) =	sbr.rel $0x88, $3  }
0x1: {  	(tag) =	ssettag $0x0;
	lr =	simm.s32 $0x1  }
0x2: {  	[smem:$0x3F94] =	sst lr;
	_ =	strace $0xD0000000  }
0x3: {  	_ = 	snop  }
0x4: {  	_ = 	snop  }
0x5: {  	_ = 	snop  }
0x6: {  	_ = 	snop  }
0x7: {  	_ = 	snop  }
__scs_overlays_trampoline_lowered:
0x8: {  	[smem:$0x3FA3] =	sst s0  }
0x9: {  	[smem:$0x3FA4] =	sst s1  }
0xa: {  	[smem:$0x3FA5] =	sst s2  }
0xb: {  	[smem:$0x3FA6] =	sst s3  }
0xc: {  	[smem:$0x3FA7] =	sst s4  }
0xd: {  	[smem:$0x3FA8] =	sst s5  }
0xe: {  	[smem:$0x3FA9] =	sst s6  }
0xf: {  	[smem:$0x3FAA] =	sst s7  }
0x10: {  	[smem:$0x3FAB] =	sst s8  }
0x11: {  	[smem:$0x3FAC] =	sst s9;
	s0 =	simm.s32 @!p0 $0x0  }
0x12: {  	s1 =	sld [smem:$0x3F92];
	s0 =	simm.s32 @p0 $0x1  }
0x13: {  	[smem:$0x3FAD] =	sst s0;
	s0 =	simm.s32 @!p1 $0x0  }
0x14: {  	s2 =	sld [smem:$0x3F91];
	s0 =	simm.s32 @p1 $0x1  }
0x15: {  	[smem:$0x3FAE] =	sst s0;
	s0 =	simm.s32 @!p2 $0x0  }
0x16: {  	s3 =	sld [smem:$0x3FDB];
	s0 =	simm.s32 @p2 $0x1  }
0x17: {  	s4 =	simm.s32 $0x1BF5;
	[smem:$0x3FB0] =	sst s0  }
0x18: {  	s0 =	sld [smem:$0x3F93];
	_ =	swait.ge [sflag:s4], $0x0  }
0x19: {  	s7 =	sld [smem:$0x3F94]  }
0x1a: {  	s8 =	sadd.s32 $0xFFFFE003, lr  }
0x1b: {  	s9 =	sadd.s32 $0xFFFFFEF7, lr;
	s5 =	simm.s32 $0xFFFFFFFF;
	p2 =	slt.u32 s8, $0xFFFFF086  }
0x1c: {  	p1 =	slt.u32 s9, $0xF7A;
	s5 =	simm.s32 @!p2 $0x0  }
0x1d: {  	s5 =	simm.s32 @p1 $0x1;
	p0 =	seq.s32 s7, s2  }
0x1e: {  	s7 =	smul.u32 @!p0 $0xF7A, s2;
	p2 =	seq.s32 @!p0 s5, $0x0  }
0x1f: {  	s9 =	smul.u32 $0xF7A, s1;
	s8 =	simm.s32 @!p0 $0x1BF5;
	p2 =	por !p2, p0  }
0x20: {  	[sflag:s8] =	ssyncset.s32 @!p0 $0xFFFFF086;
	s6 =	sadd.s32 @!p0 s3, s7;
	s7 =	simm.s32 @!p0 $0x108  }
0x21: {  	s3 =	sadd.s32 s3, s9;
	s6 =	sadd.s32 @!p0 $0x88, s6;
	s7 =	simm.s32 @p2 $0x1082  }
0x22: {  	[simem:s7], [sflag:s8] =	dma.local @!p0 [hbm:s6], $0xF7A  }
0x23: {  	s9 =	sor.u32 $0xD0000000, s2;
	s6 =	simm.s32 $0x108;
	_ =	swait.ge @!p0 [sflag:s8], $0x0  }
0x24: {  	s3 =	sadd.s32 $0x88, s3;
	s6 =	simm.s32 @!p1 $0x1082;
	[sflag:s4] =	ssyncset.s32 $0xFFFFF086  }
0x25: {  	[simem:s6], [sflag:s4] =	dma.local [hbm:s3], $0xF7A  }
0x26: {  	[smem:$0x3F94] =	sst s1;
	(tag) =	ssettag s2;
	_ =	strace s9  }
0x27: {  	s1 =	sld [smem:$0x3FA4]  }
0x28: {  	s2 =	sld [smem:$0x3FA5]  }
0x29: {  	s4 =	sld [smem:$0x3FA7]  }
0x2a: {  	p0 =	seq.s32 s5, $0x0;
	s5 =	sld [smem:$0x3FA8]  }
0x2b: {  	s6 =	sld [smem:$0x3FA9]  }
0x2c: {  	s7 =	sld [smem:$0x3FAA]  }
0x2d: {  	s3 =	simm.s32 $0x108;
	s8 =	sld [smem:$0x3FAB]  }
0x2e: {  	s3 =	simm.s32 @!p0 $0x1082;
	s9 =	sld [smem:$0x3FAC]  }
0x2f: {  	lr =	sadd.s32 s0, s3;
	s0 =	sld [smem:$0x3FA3]  }
0x30: {  	s3 =	sld [smem:$0x3FA6]  }
0x31: {  	[smem:$0x3FAF] =	sst s10  }
0x32: {  	s10 =	sld [smem:$0x3FAD];
	_ =	sdelay $0x3  }
0x33: {  	p0 =	seq.s32 s10, $0x1;
	s10 =	sld [smem:$0x3FAF];
	_ =	sdelay $0x3  }
0x34: {  	[smem:$0x3FAF] =	sst s10  }
0x35: {  	s10 =	sld [smem:$0x3FAE];
	_ =	sdelay $0x3  }
0x36: {  	p1 =	seq.s32 s10, $0x1;
	s10 =	sld [smem:$0x3FAF];
	_ =	sdelay $0x3  }
0x37: {  	[smem:$0x3FAF] =	sst s10  }
0x38: {  	s10 =	sld [smem:$0x3FB0]  }
0x39: {  	_ = 	snop;
	(pc) =	sbr.ind lr, $3  }
0x3a: {  	_ = 	snop  }
0x3b: {  	_ = 	snop  }
0x3c: {  	p2 =	seq.s32 s10, $0x1;
	s10 =	sld [smem:$0x3FAF]  }
0x3d: {  	_ =	shalt  }
0x3e: {  	_ =	shalt  }
0x3f: {  	_ =	shalt  }
0x40: {  	_ =	shalt  }
0x41: {  	_ =	shalt  }
0x42: {  	_ =	shalt  }
0x43: {  	_ =	shalt  }
0x44: {  	_ =	shalt  }
0x45: {  	_ =	shalt  }
0x46: {  	_ =	shalt  }
0x47: {  	_ =	shalt  }
0x48: {  	_ =	shalt  }
0x49: {  	_ =	shalt  }
0x4a: {  	_ =	shalt  }
0x4b: {  	_ =	shalt  }
0x4c: {  	_ =	shalt  }
0x4d: {  	_ =	shalt  }
0x4e: {  	_ =	shalt  }
0x4f: {  	_ =	shalt  }
0x50: {  	_ =	shalt  }
0x51: {  	_ =	shalt  }
0x52: {  	_ =	shalt  }
0x53: {  	_ =	shalt  }
0x54: {  	_ =	shalt  }
0x55: {  	_ =	shalt  }
0x56: {  	_ =	shalt  }
0x57: {  	_ =	shalt  }
0x58: {  	_ =	shalt  }
0x59: {  	_ =	shalt  }
0x5a: {  	_ =	shalt  }
0x5b: {  	_ =	shalt  }
0x5c: {  	_ =	shalt  }
0x5d: {  	_ =	shalt  }
0x5e: {  	_ =	shalt  }
0x5f: {  	_ =	shalt  }
0x60: {  	_ =	shalt  }
0x61: {  	_ =	shalt  }
0x62: {  	_ =	shalt  }
0x63: {  	_ =	shalt  }
0x64: {  	_ =	shalt  }
0x65: {  	_ =	shalt  }
0x66: {  	_ =	shalt  }
0x67: {  	_ =	shalt  }
0x68: {  	_ =	shalt  }
0x69: {  	_ =	shalt  }
0x6a: {  	_ =	shalt  }
0x6b: {  	_ =	shalt  }
0x6c: {  	_ =	shalt  }
0x6d: {  	_ =	shalt  }
0x6e: {  	_ =	shalt  }
0x6f: {  	_ =	shalt  }
0x70: {  	_ =	shalt  }
0x71: {  	_ =	shalt  }
0x72: {  	_ =	shalt  }
0x73: {  	_ =	shalt  }
0x74: {  	_ =	shalt  }
0x75: {  	_ =	shalt  }
0x76: {  	_ =	shalt  }
0x77: {  	_ =	shalt  }
0x78: {  	_ =	shalt  }
0x79: {  	_ =	shalt  }
0x7a: {  	_ =	shalt  }
0x7b: {  	_ =	shalt  }
0x7c: {  	_ =	shalt  }
0x7d: {  	_ =	shalt  }
0x7e: {  	_ =	shalt  }
0x7f: {  	_ =	shalt  }
0x80: {  	_ =	shalt  }
0x81: {  	_ =	shalt  }
0x82: {  	_ =	shalt  }
0x83: {  	_ =	shalt  }
0x84: {  	_ =	shalt  }
0x85: {  	_ =	shalt  }
0x86: {  	_ =	shalt  }
0x87: {  	_ =	shalt  }
.Lfunc_end0:
.L_simem_size_0:
called_computation.2_lowered:
.L_overlay_start_0:
0x88: {  	s2 =	sld [smem:$0x3FD9]  }
0x89: {  	s3 =	sld [smem:$0x3FFE];
	_ =	sdelay $0x1  }
0x8a: {  	s1 =	srdreg.scid  }
0x8b: {  	s0 =	sand.u32 $0x1, s1  }
0x8c: {  	s14 =	sshll.u32 s0, $0xA;
	s2 =	sadd.s32 s3, s2  }
0x8d: {  	s2 =	sadd.s32 s2, s14  }
0x8e: {  	[smem:$0x3FBB] =	sst s2  }
0x8f: {  	_ = 	snop  }
0x90: {  	s2 =	sld [smem:$0x3FD0];
	_ =	sdelay $0x2  }
0x91: {  	s15 =	simm.s32 $0xB;
	s4 =	simm.s32 $0x10  }
0x92: {  	[smem:s4], [sflag:s15] =	dma.local [hbm:s2], $0x1  }
0x93: {  	_ =	swait.eq [sflag:s15], $0x1  }
0x94: {  	[sflag:s15] =	ssyncset.done $0x0  }
0x95: {  	s16 =	sld [smem:$0x10];
	[sflag:s15] =	ssyncadd.s32 $0xFFFFFFFF  }
0x96: {  	s17 =	sld [smem:$0x11];
	(tm) =	ssettm $0x1  }
0x97: {  	s18 =	sld [smem:$0x3FFB];
	_ =	sdelay $0x3  }
0x98: {  	_ =	strace s18  }
0x99: {  	s4 =	sld [smem:$0x3FFC];
	_ =	sdelay $0x3  }
0x9a: {  	_ =	strace s4  }
0x9b: {  	s4 =	sld [smem:$0x3FFD];
	_ =	sdelay $0x3  }
0x9c: {  	_ =	strace s4  }
0x9d: {  	_ =	strace $0x8FFFFFFF  }
0x9e: {  	s19 =	sld [smem:$0x3FDB];
	_ =	sdelay $0x1  }
0x9f: {  	s5 =	simm.s32 $_scs_section_size  }
0xa0: {  	s6 =	simm.s32 $_size__tile_overlayer_lowered;
	s7 =	simm.s32 $_tile_overlayer_lowered  }
0xa1: {  	s22 =	simm.s32 $0x1BFF;
	s21 =	sshll.u32 s7, $0x1;
	s4 =	sadd.s32 s5, s19  }
0xa2: {  	s8 =	simm.s32 $0x0;
	s20 =	sshll.u32 s6, $0x1;
	s6 =	sadd.s32 s21, s4  }
0xa3: {  	[timem:s8], [sflag:s22] =	dma.local [hbm:s6], s20  }
0xa4: {  	_ =	swait.ge [sflag:s22], s20  }
0xa5: {  	s5 =	ssub.s32 $0x0, s20;
	[sflag:s22] =	ssyncset.done $0x0  }
0xa6: {  	[sflag:s22] =	ssyncadd.s32 s5;
	_ =	sdelay $0x1  }
0xa7: {  	s23 =	simm.s32 $0x1B8B  }
0xa8: {  	_ =	swait.ge [sflag:s23], $0x1  }
0xa9: {  	[sflag:s23] =	ssyncset.done $0x0  }
0xaa: {  	s25 =	simm.s32 $0x1B8E;
	s24 =	sld [smem:$0x3FFE];
	[sflag:s23] =	ssyncadd.s32 $0xFFFFFFFF  }
0xab: {  	s26 =	simm.s32 $execute0_lowered;
	[smem:$0x3FD2] =	sst s25  }
0xac: {  	s6 =	sshll.u32 s26, $0x1;
	_ =	strace $0x8000004C;
	[dreg:$0x1] =	wrdreg $0xFFFFFFFF  }
0xad: {  	s28 =	simm.s32 $_size_execute0_lowered;
	s4 =	sadd.s32 s4, s6;
	[dreg:$0x0] =	wrdreg $0x0  }
0xae: {  	s6 =	sshll.u32 s28, $0x1;
	[dreg:$0x2] =	wrdreg s4  }
0xaf: {  	[dreg:$0x3] =	wrdreg s6  }
0xb0: {  	[dreg:$0x4] =	wrdreg $0xC0  }
0xb1: {  	_ =	task [dreg:s8], $0x5FFFF  }
0xb2: {  	[dreg:$0x1] =	wrdreg $0xFFFFFFFF  }
0xb3: {  	[dreg:$0x0] =	wrdreg $0x60  }
0xb4: {  	[dreg:$0x2] =	wrdreg s16  }
0xb5: {  	[dreg:$0x3] =	wrdreg s24  }
0xb6: {  	[dreg:$0x4] =	wrdreg s17  }
0xb7: {  	[dreg:$0x5] =	wrdreg $0x9C000  }
0xb8: {  	[dreg:$0x6] =	wrdreg $0x9  }
0xb9: {  	_ =	task.clear_ibuf [dreg:s8], $0x7FFFF;
	_ =	strace $0x9000004C  }
0xba: {  	s29 =	simm.s32 $0x9;
	_ =	strace $0x8000004E  }
0xbb: {  	_ =	swait.ge [sflag:s29], $0x1  }
0xbc: {  	[sflag:s29] =	ssyncadd.s32 $0xFFFFFFFF  }
0xbd: {  	_ =	strace $0x9000004E  }
0xbe: {  	_ =	sfence  }
0xbf: {  	s30 =	sld [smem:$0x0];
	_ =	sdelay $0x2  }
0xc0: {  	s31 =	sshll.u32 s1, $0xD;
	s1 =	sshrl.u32 s1, $0x2  }
0xc1: {  	s3 =	sand.u32 $0x4000, s31;
	s1 =	sadd.s32 s1, s30  }
0xc2: {  	s0 =	sor.u32 s3, s0;
	s1 =	sshll.u32 s1, $0x11  }
0xc3: {  	s0 =	sor.u32 s1, s0  }
0xc4: {  	s0 =	sadd.s32 $0x8F2B, s0  }
0xc5: {  	[sflag:s0] =	ssyncadd.remote.s32 $0x1  }
0xc6: {  	_ =	sfence.sel $0xFFFF  }
0xc7: {  	[dreg:$0x0] =	wrdreg $0xFFFFFFFF;
	(pc) =	sbr.abs _section_cstart, $3  }
0xc8: {  	[dreg:$0x1] =	wrdreg $0xFFFFFFFF  }
0xc9: {  	_ =	task.clear_ibuf [dreg:s8], $0x2FFFF;
	_ =	strace $0x9FFFFFFF  }
0xca: {  	(tm) =	ssettm $0x7FFFFFFF  }
0xcb: {  	_ =	shalt  }
tec
execute0_lowered:
.L_overlay_start_1:
0x0: {  	(tag) =	ssettag $0x1  }
0x1: {  	s1 =	rddreg [dreg:$0x0]  }
0x2: {  	s6 =	rddreg [dreg:$0x1]  }
0x3: {  	s2 =	rddreg [dreg:$0x2]  }
0x4: {  	s3 =	rddreg [dreg:$0x3]  }
0x5: {  	s4 =	srdreg.scid;
	s0 =	rddreg [dreg:$0x4]  }
0x6: {  	s5 =	simm.s32 $0x0;
	s14 =	simm.s32 $0x64;
	s15 =	simm.s32 $0x6800  }
0x7: {  	s16 =	simm.s32 $0x1;
	s7 =	sand.u32 $0x1, s4;
	s4 =	stileid.u32  }
0x8: {  	s17 =	simm.s32 $0x0;
	[smem:$0x7FF] =	sst s5;
	s8 =	smul.u32 $0x140000, s7  }
0x9: {  	s9 =	sshll.u32 s4, $0x1;
	s10 =	smul.u32 $0x14000, s4;
	_ =	strace $0x8000004D  }
0xa: {  	s11 =	smul.u32 $0x50000, s4;
	s12 =	sshll.u32 s4, $0x6;
	s9 =	sor.u32 s7, s9  }
0xb: {  	s7 =	ssub.s32 $0x2, s7;
	s12 =	sor.u32 $0x1C02, s12;
	s9 =	smul.u32 $0x680, s9  }
0xc: {  	s8 =	sadd.s32 s10, s8;
	s30 =	sshrl.u32 s7, $0x1;
	s31 =	sshrl.u32 s11, $0x2  }
0xd: {  	s11 =	simm.s32 $0x3400;
	s8 =	sshrl.u32 s8, $0x3;
	s10 =	ssub.s32 s7, s30  }
0xe: {  	s13 =	sadd.s32 s31, s3;
	s9 =	sadd.s32 s9, s6;
	s8 =	sadd.s32 s8, s6  }
0xf: {  	s13 =	sshrl.u32 s13, $0x3;
	s6 =	sadd.s32 $0x11200, s9;
	s7 =	sadd.s32 $0x4200, s9  }
0x10: {  	s8 =	sadd.s32 $0x1E200, s8;
	s9 =	smax.u32 s10, $0x1;
	s10 =	simm.s32 $0x2  }
.LBB2_1:
0x11: {  	[tilespmem:s5], [sflag:$0x2] =	stream.linear.gather [hbm4b:s6+s5], $0x3200, $0x38;
	[tilespmem:$0x1DC00] =	vst v63  }
0x12: {  	_ =	swait.ge [sflag:s10], $0x3200  }
0x13: {  	[sflag:s10] =	ssyncset.done $0x0  }
0x14: {  	[sflag:s10] =	ssyncadd.s32 $0xFFFFCE00  }
0x15: {  	[tilespmem:s11], [sflag:$0x2] =	stream.linear.gather [hbm4b:s7+s5], $0x3200, $0x38;
	[tilespmem:$0x1DC00] =	vst v63  }
0x16: {  	_ =	swait.ge [sflag:s10], $0x3200  }
0x17: {  	[sflag:s10] =	ssyncset.done $0x0  }
0x18: {  	[sflag:s10] =	ssyncadd.s32 $0xFFFFCE00  }
0x19: {  	[spmem:s13], [sflag:s12] =	dma.local [hbm:s2], $0x2800  }
0x1a: {  	_ =	swait.ge [sflag:s10], $0x2800  }
0x1b: {  	[sflag:s10] =	ssyncset.done $0x0  }
0x1c: {  	[sflag:s10] =	ssyncadd.s32 $0xFFFFD800  }
0x1d: {  	s18 =	simm.s32 $0x0;
	[bflag:$0x0] =	sbarrier.arrive $0xFFFF  }
0x1e: {  	[tilespmem:s15], [sflag:$0x1] =	stream.indirect.gather [hbm4b:s1+s14], $0x80, s18, s14, $0xb8;
	[tilespmem:$0x1DC00] =	vst v63  }
0x1f: {  	_ =	swait.ge [sflag:s16], $0x3200  }
0x20: {  	[sflag:s16] =	ssyncset.done $0x0  }
0x21: {  	s31 =	simm.s32 $0x3400;
	[sflag:s16] =	ssyncadd.s32 $0xFFFFCE00  }
0x22: {  	[spmem:s3] =	stream.indirect.scatter.add.f32 [tilespmem:s15], [sflag:$0x2], $0x80, s31, s14, $0xb8;
	[tilespmem:$0x1DC00] =	vst v63  }
0x23: {  	_ =	swait.ge [sflag:s10], $0x3200  }
0x24: {  	s19 =	simm.s32 $0x400;
	s18 =	simm.s32 $0x200;
	[sflag:s10] =	ssyncset.done $0x0  }
.LBB2_2:
0x25: {  	s20 =	sshra.s32 s18, $0x2  }
0x26: {  	[sflag:s10] =	ssyncadd.s32 $0xFFFFCE00;
	s18 =	smov.u32 s19;
	s21 =	sadd.s32 $0x200, s19  }
0x27: {  	[tilespmem:s15], [sflag:$0x1] =	stream.indirect.gather [hbm4b:s1+s14], $0x80, s20, s14, $0xb8;
	[tilespmem:$0x1DC00] =	vst v63  }
0x28: {  	p0 =	sne.s32 s19, $0xC600;
	_ =	swait.ge [sflag:s16], $0x3200  }
.Ltmp0:
0x29: {  	[sflag:s16] =	ssyncset.done $0x0;
	(pc) =	sbr.rel @p0 .LBB2_2-.Ltmp0, $4  }
0x2a: {  	s19 =	sadd.s32 $0x3400, s20;
	[sflag:s16] =	ssyncadd.s32 $0xFFFFCE00  }
0x2b: {  	[spmem:s3] =	stream.indirect.scatter.add.f32 [tilespmem:s15], [sflag:$0x2], $0x80, s19, s14, $0xb8;
	[tilespmem:$0x1DC00] =	vst v63  }
0x2c: {  	_ =	swait.ge [sflag:s10], $0x3200  }
0x2d: {  	s19 =	smov.u32 s21;
	[sflag:s10] =	ssyncset.done $0x0  }
0x2e: {  	s18 =	sshra.s32 s18, $0x2;
	[sflag:s10] =	ssyncadd.s32 $0xFFFFCE00  }
0x2f: {  	[tilespmem:s15], [sflag:$0x1] =	stream.indirect.gather [hbm4b:s1+s14], $0x80, s18, s14, $0xb8;
	[tilespmem:$0x1DC00] =	vst v63  }
0x30: {  	_ =	swait.ge [sflag:s16], $0x3200  }
0x31: {  	[sflag:s16] =	ssyncset.done $0x0  }
0x32: {  	s18 =	sadd.s32 $0x3400, s18;
	[sflag:s16] =	ssyncadd.s32 $0xFFFFCE00  }
0x33: {  	[spmem:s3] =	stream.indirect.scatter.add.f32 [tilespmem:s15], [sflag:$0x2], $0x80, s18, s14, $0xb8;
	[tilespmem:$0x1DC00] =	vst v63  }
0x34: {  	_ =	swait.ge [sflag:s10], $0x3200  }
0x35: {  	s17 =	sadd.s32 $0x1, s17;
	[sflag:s10] =	ssyncset.done $0x0  }
0x36: {  	p0 =	sne.s32 s17, s9;
	[sflag:s10] =	ssyncadd.s32 $0xFFFFCE00  }
.Ltmp1:
0x37: {  	[bflag:$0x0] =	sbarrier.arrive $0xFFFF;
	(pc) =	sbr.rel @p0 .LBB2_1-.Ltmp1, $4  }
0x38: {  	[hbm:s8], [sflag:s12] =	dma.local [spmem:s13], $0x2800  }
0x39: {  	_ =	swait.ge [sflag:s10], $0x2800  }
0x3a: {  	[sflag:s10] =	ssyncset.done $0x0  }
0x3b: {  	[sflag:s10] =	ssyncadd.s32 $0xFFFFD800  }
0x3c: {  	_ =	sfence.sel $0x180000  }
0x3d: {  	[bflag:$0x0] =	sbarrier.arrive $0xFFFF  }
0x3e: {  	p0 =	sne.s32 s4, $0x0;
	_ =	strace $0x9000004D  }
0x3f: {  	s0 =	sadd.s32 @!p0 $0x100000, s0;
	[bflag:$0x2] =	sbarrier.arrive $0xFFFF  }
0x40: {  	[sflag:s0] =	ssyncadd.tile.s32 @!p0 $0x1;
	_ =	shalt  }
.Lfunc_end2:
_tile_overlayer_lowered:
.L_overlay_start_2:
0x41: {  	(tag) =	ssettag $0x2  }
0x42: {  	s0 =	rddreg [dreg:$0x0];
	s2 =	stileid.u32  }
0x43: {  	s1 =	rddreg [dreg:$0x1];
	p0 =	sne.s32 s2, $0x0  }
0x44: {  	s3 =	rddreg [dreg:$0x2];
	[bflag:$0x3] =	sbarrier.arrive $0xFFFF;
	s2 =	simm.s32 @!p0 $0x1C02  }
0x45: {  	[timem:s3], [sflag:s2] =	dma.local @!p0 [hbm:s0], s1  }
0x46: {  	s0 =	simm.s32 @!p0 $0x2  }
0x47: {  	_ =	swait.ge @!p0 [sflag:s0], s1  }
0x48: {  	s1 =	ssub.s32 @!p0 $0x0, s1;
	[sflag:s0] =	ssyncset.done @!p0 $0x0  }
0x49: {  	[sflag:s0] =	ssyncadd.s32 @!p0 s1  }
0x4a: {  	[bflag:$0x3] =	sbarrier.arrive $0xFFFF  }
0x4b: {  	_ =	shalt  }

// kernel: kernel.18.cloned.1.call-start
scs
__scs_entry_jumppad:
0x0: {  	(pc) =	sbr.rel $0x88, $3  }
0x1: {  	(tag) =	ssettag $0x0;
	lr =	simm.s32 $0x1  }
0x2: {  	[smem:$0x3F94] =	sst lr;
	_ =	strace $0xD0000000  }
0x3: {  	_ = 	snop  }
0x4: {  	_ = 	snop  }
0x5: {  	_ = 	snop  }
0x6: {  	_ = 	snop  }
0x7: {  	_ = 	snop  }
__scs_overlays_trampoline_lowered:
0x8: {  	[smem:$0x3FA3] =	sst s0  }
0x9: {  	[smem:$0x3FA4] =	sst s1  }
0xa: {  	[smem:$0x3FA5] =	sst s2  }
0xb: {  	[smem:$0x3FA6] =	sst s3  }
0xc: {  	[smem:$0x3FA7] =	sst s4  }
0xd: {  	[smem:$0x3FA8] =	sst s5  }
0xe: {  	[smem:$0x3FA9] =	sst s6  }
0xf: {  	[smem:$0x3FAA] =	sst s7  }
0x10: {  	[smem:$0x3FAB] =	sst s8  }
0x11: {  	[smem:$0x3FAC] =	sst s9;
	s0 =	simm.s32 @!p0 $0x0  }
0x12: {  	s1 =	sld [smem:$0x3F92];
	s0 =	simm.s32 @p0 $0x1  }
0x13: {  	[smem:$0x3FAD] =	sst s0;
	s0 =	simm.s32 @!p1 $0x0  }
0x14: {  	s2 =	sld [smem:$0x3F91];
	s0 =	simm.s32 @p1 $0x1  }
0x15: {  	[smem:$0x3FAE] =	sst s0;
	s0 =	simm.s32 @!p2 $0x0  }
0x16: {  	s3 =	sld [smem:$0x3FDB];
	s0 =	simm.s32 @p2 $0x1  }
0x17: {  	s4 =	simm.s32 $0x1BF5;
	[smem:$0x3FB0] =	sst s0  }
0x18: {  	s0 =	sld [smem:$0x3F93];
	_ =	swait.ge [sflag:s4], $0x0  }
0x19: {  	s7 =	sld [smem:$0x3F94]  }
0x1a: {  	s8 =	sadd.s32 $0xFFFFE003, lr  }
0x1b: {  	s9 =	sadd.s32 $0xFFFFFEF7, lr;
	s5 =	simm.s32 $0xFFFFFFFF;
	p2 =	slt.u32 s8, $0xFFFFF086  }
0x1c: {  	p1 =	slt.u32 s9, $0xF7A;
	s5 =	simm.s32 @!p2 $0x0  }
0x1d: {  	s5 =	simm.s32 @p1 $0x1;
	p0 =	seq.s32 s7, s2  }
0x1e: {  	s7 =	smul.u32 @!p0 $0xF7A, s2;
	p2 =	seq.s32 @!p0 s5, $0x0  }
0x1f: {  	s9 =	smul.u32 $0xF7A, s1;
	s8 =	simm.s32 @!p0 $0x1BF5;
	p2 =	por !p2, p0  }
0x20: {  	[sflag:s8] =	ssyncset.s32 @!p0 $0xFFFFF086;
	s6 =	sadd.s32 @!p0 s3, s7;
	s7 =	simm.s32 @!p0 $0x108  }
0x21: {  	s3 =	sadd.s32 s3, s9;
	s6 =	sadd.s32 @!p0 $0x88, s6;
	s7 =	simm.s32 @p2 $0x1082  }
0x22: {  	[simem:s7], [sflag:s8] =	dma.local @!p0 [hbm:s6], $0xF7A  }
0x23: {  	s9 =	sor.u32 $0xD0000000, s2;
	s6 =	simm.s32 $0x108;
	_ =	swait.ge @!p0 [sflag:s8], $0x0  }
0x24: {  	s3 =	sadd.s32 $0x88, s3;
	s6 =	simm.s32 @!p1 $0x1082;
	[sflag:s4] =	ssyncset.s32 $0xFFFFF086  }
0x25: {  	[simem:s6], [sflag:s4] =	dma.local [hbm:s3], $0xF7A  }
0x26: {  	[smem:$0x3F94] =	sst s1;
	(tag) =	ssettag s2;
	_ =	strace s9  }
0x27: {  	s1 =	sld [smem:$0x3FA4]  }
0x28: {  	s2 =	sld [smem:$0x3FA5]  }
0x29: {  	s4 =	sld [smem:$0x3FA7]  }
0x2a: {  	p0 =	seq.s32 s5, $0x0;
	s5 =	sld [smem:$0x3FA8]  }
0x2b: {  	s6 =	sld [smem:$0x3FA9]  }
0x2c: {  	s7 =	sld [smem:$0x3FAA]  }
0x2d: {  	s3 =	simm.s32 $0x108;
	s8 =	sld [smem:$0x3FAB]  }
0x2e: {  	s3 =	simm.s32 @!p0 $0x1082;
	s9 =	sld [smem:$0x3FAC]  }
0x2f: {  	lr =	sadd.s32 s0, s3;
	s0 =	sld [smem:$0x3FA3]  }
0x30: {  	s3 =	sld [smem:$0x3FA6]  }
0x31: {  	[smem:$0x3FAF] =	sst s10  }
0x32: {  	s10 =	sld [smem:$0x3FAD];
	_ =	sdelay $0x3  }
0x33: {  	p0 =	seq.s32 s10, $0x1;
	s10 =	sld [smem:$0x3FAF];
	_ =	sdelay $0x3  }
0x34: {  	[smem:$0x3FAF] =	sst s10  }
0x35: {  	s10 =	sld [smem:$0x3FAE];
	_ =	sdelay $0x3  }
0x36: {  	p1 =	seq.s32 s10, $0x1;
	s10 =	sld [smem:$0x3FAF];
	_ =	sdelay $0x3  }
0x37: {  	[smem:$0x3FAF] =	sst s10  }
0x38: {  	s10 =	sld [smem:$0x3FB0]  }
0x39: {  	_ = 	snop;
	(pc) =	sbr.ind lr, $3  }
0x3a: {  	_ = 	snop  }
0x3b: {  	_ = 	snop  }
0x3c: {  	p2 =	seq.s32 s10, $0x1;
	s10 =	sld [smem:$0x3FAF]  }
0x3d: {  	_ =	shalt  }
0x3e: {  	_ =	shalt  }
0x3f: {  	_ =	shalt  }
0x40: {  	_ =	shalt  }
0x41: {  	_ =	shalt  }
0x42: {  	_ =	shalt  }
0x43: {  	_ =	shalt  }
0x44: {  	_ =	shalt  }
0x45: {  	_ =	shalt  }
0x46: {  	_ =	shalt  }
0x47: {  	_ =	shalt  }
0x48: {  	_ =	shalt  }
0x49: {  	_ =	shalt  }
0x4a: {  	_ =	shalt  }
0x4b: {  	_ =	shalt  }
0x4c: {  	_ =	shalt  }
0x4d: {  	_ =	shalt  }
0x4e: {  	_ =	shalt  }
0x4f: {  	_ =	shalt  }
0x50: {  	_ =	shalt  }
0x51: {  	_ =	shalt  }
0x52: {  	_ =	shalt  }
0x53: {  	_ =	shalt  }
0x54: {  	_ =	shalt  }
0x55: {  	_ =	shalt  }
0x56: {  	_ =	shalt  }
0x57: {  	_ =	shalt  }
0x58: {  	_ =	shalt  }
0x59: {  	_ =	shalt  }
0x5a: {  	_ =	shalt  }
0x5b: {  	_ =	shalt  }
0x5c: {  	_ =	shalt  }
0x5d: {  	_ =	shalt  }
0x5e: {  	_ =	shalt  }
0x5f: {  	_ =	shalt  }
0x60: {  	_ =	shalt  }
0x61: {  	_ =	shalt  }
0x62: {  	_ =	shalt  }
0x63: {  	_ =	shalt  }
0x64: {  	_ =	shalt  }
0x65: {  	_ =	shalt  }
0x66: {  	_ =	shalt  }
0x67: {  	_ =	shalt  }
0x68: {  	_ =	shalt  }
0x69: {  	_ =	shalt  }
0x6a: {  	_ =	shalt  }
0x6b: {  	_ =	shalt  }
0x6c: {  	_ =	shalt  }
0x6d: {  	_ =	shalt  }
0x6e: {  	_ =	shalt  }
0x6f: {  	_ =	shalt  }
0x70: {  	_ =	shalt  }
0x71: {  	_ =	shalt  }
0x72: {  	_ =	shalt  }
0x73: {  	_ =	shalt  }
0x74: {  	_ =	shalt  }
0x75: {  	_ =	shalt  }
0x76: {  	_ =	shalt  }
0x77: {  	_ =	shalt  }
0x78: {  	_ =	shalt  }
0x79: {  	_ =	shalt  }
0x7a: {  	_ =	shalt  }
0x7b: {  	_ =	shalt  }
0x7c: {  	_ =	shalt  }
0x7d: {  	_ =	shalt  }
0x7e: {  	_ =	shalt  }
0x7f: {  	_ =	shalt  }
0x80: {  	_ =	shalt  }
0x81: {  	_ =	shalt  }
0x82: {  	_ =	shalt  }
0x83: {  	_ =	shalt  }
0x84: {  	_ =	shalt  }
0x85: {  	_ =	shalt  }
0x86: {  	_ =	shalt  }
0x87: {  	_ =	shalt  }
.Lfunc_end0:
.L_simem_size_0:
called_computation.3_lowered:
.L_overlay_start_0:
0x88: {  	s2 =	sld [smem:$0x3FD9]  }
0x89: {  	s3 =	sld [smem:$0x3FFE];
	_ =	sdelay $0x1  }
0x8a: {  	s1 =	srdreg.scid  }
0x8b: {  	s0 =	sand.u32 $0x1, s1  }
0x8c: {  	s14 =	sshll.u32 s0, $0xA;
	s2 =	sadd.s32 s3, s2  }
0x8d: {  	s2 =	sadd.s32 s2, s14  }
0x8e: {  	[smem:$0x3FBB] =	sst s2  }
0x8f: {  	_ = 	snop  }
0x90: {  	s2 =	sld [smem:$0x3FD0];
	_ =	sdelay $0x2  }
0x91: {  	s15 =	simm.s32 $0xB;
	s4 =	simm.s32 $0x10  }
0x92: {  	[smem:s4], [sflag:s15] =	dma.local [hbm:s2], $0x1  }
0x93: {  	_ =	swait.eq [sflag:s15], $0x1  }
0x94: {  	[sflag:s15] =	ssyncset.done $0x0  }
0x95: {  	s16 =	sld [smem:$0x10];
	[sflag:s15] =	ssyncadd.s32 $0xFFFFFFFF  }
0x96: {  	s17 =	sld [smem:$0x11];
	(tm) =	ssettm $0x1  }
0x97: {  	s18 =	sld [smem:$0x3FFB];
	_ =	sdelay $0x3  }
0x98: {  	_ =	strace s18  }
0x99: {  	s4 =	sld [smem:$0x3FFC];
	_ =	sdelay $0x3  }
0x9a: {  	_ =	strace s4  }
0x9b: {  	s4 =	sld [smem:$0x3FFD];
	_ =	sdelay $0x3  }
0x9c: {  	_ =	strace s4  }
0x9d: {  	_ =	strace $0x8FFFFFFF  }
0x9e: {  	s19 =	sld [smem:$0x3FDB];
	_ =	sdelay $0x1  }
0x9f: {  	s5 =	simm.s32 $_scs_section_size  }
0xa0: {  	s6 =	simm.s32 $_size__tile_overlayer_lowered;
	s7 =	simm.s32 $_tile_overlayer_lowered  }
0xa1: {  	s22 =	simm.s32 $0x1BFF;
	s21 =	sshll.u32 s7, $0x1;
	s4 =	sadd.s32 s5, s19  }
0xa2: {  	s8 =	simm.s32 $0x0;
	s20 =	sshll.u32 s6, $0x1;
	s6 =	sadd.s32 s21, s4  }
0xa3: {  	[timem:s8], [sflag:s22] =	dma.local [hbm:s6], s20  }
0xa4: {  	_ =	swait.ge [sflag:s22], s20  }
0xa5: {  	s5 =	ssub.s32 $0x0, s20;
	[sflag:s22] =	ssyncset.done $0x0  }
0xa6: {  	[sflag:s22] =	ssyncadd.s32 s5;
	_ =	sdelay $0x1  }
0xa7: {  	s23 =	simm.s32 $0x1B8B  }
0xa8: {  	_ =	swait.ge [sflag:s23], $0x1  }
0xa9: {  	[sflag:s23] =	ssyncset.done $0x0  }
0xaa: {  	s25 =	simm.s32 $0x1B8E;
	s24 =	sld [smem:$0x3FFE];
	[sflag:s23] =	ssyncadd.s32 $0xFFFFFFFF  }
0xab: {  	s26 =	simm.s32 $execute0_lowered;
	[smem:$0x3FD2] =	sst s25  }
0xac: {  	s6 =	sshll.u32 s26, $0x1;
	_ =	strace $0x8000004F;
	[dreg:$0x1] =	wrdreg $0xFFFFFFFF  }
0xad: {  	s28 =	simm.s32 $_size_execute0_lowered;
	s4 =	sadd.s32 s4, s6;
	[dreg:$0x0] =	wrdreg $0x0  }
0xae: {  	s6 =	sshll.u32 s28, $0x1;
	[dreg:$0x2] =	wrdreg s4  }
0xaf: {  	[dreg:$0x3] =	wrdreg s6  }
0xb0: {  	[dreg:$0x4] =	wrdreg $0xC0  }
0xb1: {  	_ =	task [dreg:s8], $0x5FFFF  }
0xb2: {  	[dreg:$0x1] =	wrdreg $0xFFFFFFFF  }
0xb3: {  	[dreg:$0x0] =	wrdreg $0x60  }
0xb4: {  	[dreg:$0x2] =	wrdreg s16  }
0xb5: {  	[dreg:$0x3] =	wrdreg s24  }
0xb6: {  	[dreg:$0x4] =	wrdreg s17  }
0xb7: {  	[dreg:$0x5] =	wrdreg $0x9C000  }
0xb8: {  	[dreg:$0x6] =	wrdreg $0x9  }
0xb9: {  	_ =	task.clear_ibuf [dreg:s8], $0x7FFFF;
	_ =	strace $0x9000004F  }
0xba: {  	s29 =	simm.s32 $0x9;
	_ =	strace $0x80000051  }
0xbb: {  	_ =	swait.ge [sflag:s29], $0x1  }
0xbc: {  	[sflag:s29] =	ssyncadd.s32 $0xFFFFFFFF  }
0xbd: {  	_ =	strace $0x90000051  }
0xbe: {  	_ =	sfence  }
0xbf: {  	s30 =	sld [smem:$0x0];
	_ =	sdelay $0x2  }
0xc0: {  	s31 =	sshll.u32 s1, $0xD;
	s1 =	sshrl.u32 s1, $0x2  }
0xc1: {  	s3 =	sand.u32 $0x4000, s31;
	s1 =	sadd.s32 s1, s30  }
0xc2: {  	s0 =	sor.u32 s3, s0;
	s1 =	sshll.u32 s1, $0x11  }
0xc3: {  	s0 =	sor.u32 s1, s0  }
0xc4: {  	s0 =	sadd.s32 $0x8F2B, s0  }
0xc5: {  	[sflag:s0] =	ssyncadd.remote.s32 $0x1  }
0xc6: {  	_ =	sfence.sel $0xFFFF  }
0xc7: {  	[dreg:$0x0] =	wrdreg $0xFFFFFFFF;
	(pc) =	sbr.abs _section_cstart, $3  }
0xc8: {  	[dreg:$0x1] =	wrdreg $0xFFFFFFFF  }
0xc9: {  	_ =	task.clear_ibuf [dreg:s8], $0x2FFFF;
	_ =	strace $0x9FFFFFFF  }
0xca: {  	(tm) =	ssettm $0x7FFFFFFF  }
0xcb: {  	_ =	shalt  }
tec
execute0_lowered:
.L_overlay_start_1:
0x0: {  	(tag) =	ssettag $0x1  }
0x1: {  	s1 =	rddreg [dreg:$0x0]  }
0x2: {  	s6 =	rddreg [dreg:$0x1]  }
0x3: {  	s2 =	rddreg [dreg:$0x2]  }
0x4: {  	s3 =	rddreg [dreg:$0x3]  }
0x5: {  	s4 =	srdreg.scid;
	s0 =	rddreg [dreg:$0x4]  }
0x6: {  	s5 =	simm.s32 $0x0;
	s14 =	simm.s32 $0x64;
	s15 =	simm.s32 $0x6800  }
0x7: {  	s16 =	simm.s32 $0x1;
	s7 =	sand.u32 $0x1, s4;
	s4 =	stileid.u32  }
0x8: {  	s17 =	simm.s32 $0x0;
	[smem:$0x7FF] =	sst s5;
	s8 =	smul.u32 $0x140000, s7  }
0x9: {  	s9 =	sshll.u32 s4, $0x1;
	s10 =	smul.u32 $0x14000, s4;
	_ =	strace $0x80000050  }
0xa: {  	s11 =	smul.u32 $0x50000, s4;
	s12 =	sshll.u32 s4, $0x6;
	s9 =	sor.u32 s7, s9  }
0xb: {  	s7 =	ssub.s32 $0x2, s7;
	s12 =	sor.u32 $0x1C02, s12;
	s9 =	smul.u32 $0x680, s9  }
0xc: {  	s8 =	sadd.s32 s10, s8;
	s30 =	sshrl.u32 s7, $0x1;
	s31 =	sshrl.u32 s11, $0x2  }
0xd: {  	s11 =	simm.s32 $0x3400;
	s8 =	sshrl.u32 s8, $0x3;
	s10 =	ssub.s32 s7, s30  }
0xe: {  	s13 =	sadd.s32 s31, s3;
	s9 =	sadd.s32 s9, s6;
	s8 =	sadd.s32 s8, s6  }
0xf: {  	s13 =	sshrl.u32 s13, $0x3;
	s6 =	sadd.s32 $0x11200, s9;
	s7 =	sadd.s32 $0x4200, s9  }
0x10: {  	s8 =	sadd.s32 $0x1E200, s8;
	s9 =	smax.u32 s10, $0x1;
	s10 =	simm.s32 $0x2  }
.LBB2_1:
0x11: {  	[tilespmem:s5], [sflag:$0x2] =	stream.linear.gather [hbm4b:s6+s5], $0x3200, $0x38;
	[tilespmem:$0x1DC00] =	vst v63  }
0x12: {  	_ =	swait.ge [sflag:s10], $0x3200  }
0x13: {  	[sflag:s10] =	ssyncset.done $0x0  }
0x14: {  	[sflag:s10] =	ssyncadd.s32 $0xFFFFCE00  }
0x15: {  	[tilespmem:s11], [sflag:$0x2] =	stream.linear.gather [hbm4b:s7+s5], $0x3200, $0x38;
	[tilespmem:$0x1DC00] =	vst v63  }
0x16: {  	_ =	swait.ge [sflag:s10], $0x3200  }
0x17: {  	[sflag:s10] =	ssyncset.done $0x0  }
0x18: {  	[sflag:s10] =	ssyncadd.s32 $0xFFFFCE00  }
0x19: {  	[spmem:s13], [sflag:s12] =	dma.local [hbm:s2], $0x2800  }
0x1a: {  	_ =	swait.ge [sflag:s10], $0x2800  }
0x1b: {  	[sflag:s10] =	ssyncset.done $0x0  }
0x1c: {  	[sflag:s10] =	ssyncadd.s32 $0xFFFFD800  }
0x1d: {  	s18 =	simm.s32 $0x0;
	[bflag:$0x0] =	sbarrier.arrive $0xFFFF  }
0x1e: {  	[tilespmem:s15], [sflag:$0x1] =	stream.indirect.gather [hbm4b:s1+s14], $0x80, s18, s14, $0xb8;
	[tilespmem:$0x1DC00] =	vst v63  }
0x1f: {  	_ =	swait.ge [sflag:s16], $0x3200  }
0x20: {  	[sflag:s16] =	ssyncset.done $0x0  }
0x21: {  	s31 =	simm.s32 $0x3400;
	[sflag:s16] =	ssyncadd.s32 $0xFFFFCE00  }
0x22: {  	[spmem:s3] =	stream.indirect.scatter.add.f32 [tilespmem:s15], [sflag:$0x2], $0x80, s31, s14, $0xb8;
	[tilespmem:$0x1DC00] =	vst v63  }
0x23: {  	_ =	swait.ge [sflag:s10], $0x3200  }
0x24: {  	s19 =	simm.s32 $0x400;
	s18 =	simm.s32 $0x200;
	[sflag:s10] =	ssyncset.done $0x0  }
.LBB2_2:
0x25: {  	s20 =	sshra.s32 s18, $0x2  }
0x26: {  	[sflag:s10] =	ssyncadd.s32 $0xFFFFCE00;
	s18 =	smov.u32 s19;
	s21 =	sadd.s32 $0x200, s19  }
0x27: {  	[tilespmem:s15], [sflag:$0x1] =	stream.indirect.gather [hbm4b:s1+s14], $0x80, s20, s14, $0xb8;
	[tilespmem:$0x1DC00] =	vst v63  }
0x28: {  	p0 =	sne.s32 s19, $0xC600;
	_ =	swait.ge [sflag:s16], $0x3200  }
.Ltmp0:
0x29: {  	[sflag:s16] =	ssyncset.done $0x0;
	(pc) =	sbr.rel @p0 .LBB2_2-.Ltmp0, $4  }
0x2a: {  	s19 =	sadd.s32 $0x3400, s20;
	[sflag:s16] =	ssyncadd.s32 $0xFFFFCE00  }
0x2b: {  	[spmem:s3] =	stream.indirect.scatter.add.f32 [tilespmem:s15], [sflag:$0x2], $0x80, s19, s14, $0xb8;
	[tilespmem:$0x1DC00] =	vst v63  }
0x2c: {  	_ =	swait.ge [sflag:s10], $0x3200  }
0x2d: {  	s19 =	smov.u32 s21;
	[sflag:s10] =	ssyncset.done $0x0  }
0x2e: {  	s18 =	sshra.s32 s18, $0x2;
	[sflag:s10] =	ssyncadd.s32 $0xFFFFCE00  }
0x2f: {  	[tilespmem:s15], [sflag:$0x1] =	stream.indirect.gather [hbm4b:s1+s14], $0x80, s18, s14, $0xb8;
	[tilespmem:$0x1DC00] =	vst v63  }
0x30: {  	_ =	swait.ge [sflag:s16], $0x3200  }
0x31: {  	[sflag:s16] =	ssyncset.done $0x0  }
0x32: {  	s18 =	sadd.s32 $0x3400, s18;
	[sflag:s16] =	ssyncadd.s32 $0xFFFFCE00  }
0x33: {  	[spmem:s3] =	stream.indirect.scatter.add.f32 [tilespmem:s15], [sflag:$0x2], $0x80, s18, s14, $0xb8;
	[tilespmem:$0x1DC00] =	vst v63  }
0x34: {  	_ =	swait.ge [sflag:s10], $0x3200  }
0x35: {  	s17 =	sadd.s32 $0x1, s17;
	[sflag:s10] =	ssyncset.done $0x0  }
0x36: {  	p0 =	sne.s32 s17, s9;
	[sflag:s10] =	ssyncadd.s32 $0xFFFFCE00  }
.Ltmp1:
0x37: {  	[bflag:$0x0] =	sbarrier.arrive $0xFFFF;
	(pc) =	sbr.rel @p0 .LBB2_1-.Ltmp1, $4  }
0x38: {  	[hbm:s8], [sflag:s12] =	dma.local [spmem:s13], $0x2800  }
0x39: {  	_ =	swait.ge [sflag:s10], $0x2800  }
0x3a: {  	[sflag:s10] =	ssyncset.done $0x0  }
0x3b: {  	[sflag:s10] =	ssyncadd.s32 $0xFFFFD800  }
0x3c: {  	_ =	sfence.sel $0x180000  }
0x3d: {  	[bflag:$0x0] =	sbarrier.arrive $0xFFFF  }
0x3e: {  	p0 =	sne.s32 s4, $0x0;
	_ =	strace $0x90000050  }
0x3f: {  	s0 =	sadd.s32 @!p0 $0x100000, s0;
	[bflag:$0x2] =	sbarrier.arrive $0xFFFF  }
0x40: {  	[sflag:s0] =	ssyncadd.tile.s32 @!p0 $0x1;
	_ =	shalt  }
.Lfunc_end2:
_tile_overlayer_lowered:
.L_overlay_start_2:
0x41: {  	(tag) =	ssettag $0x2  }
0x42: {  	s0 =	rddreg [dreg:$0x0];
	s2 =	stileid.u32  }
0x43: {  	s1 =	rddreg [dreg:$0x1];
	p0 =	sne.s32 s2, $0x0  }
0x44: {  	s3 =	rddreg [dreg:$0x2];
	[bflag:$0x3] =	sbarrier.arrive $0xFFFF;
	s2 =	simm.s32 @!p0 $0x1C02  }
0x45: {  	[timem:s3], [sflag:s2] =	dma.local @!p0 [hbm:s0], s1  }
0x46: {  	s0 =	simm.s32 @!p0 $0x2  }
0x47: {  	_ =	swait.ge @!p0 [sflag:s0], s1  }
0x48: {  	s1 =	ssub.s32 @!p0 $0x0, s1;
	[sflag:s0] =	ssyncset.done @!p0 $0x0  }
0x49: {  	[sflag:s0] =	ssyncadd.s32 @!p0 s1  }
0x4a: {  	[bflag:$0x3] =	sbarrier.arrive $0xFFFF  }
0x4b: {  	_ =	shalt  }

// kernel: kernel.9.cloned.1.call-start
scs
__scs_entry_jumppad:
0x0: {  	(pc) =	sbr.rel $0x88, $3  }
0x1: {  	(tag) =	ssettag $0x0;
	lr =	simm.s32 $0x1  }
0x2: {  	[smem:$0x3F94] =	sst lr;
	_ =	strace $0xD0000000  }
0x3: {  	_ = 	snop  }
0x4: {  	_ = 	snop  }
0x5: {  	_ = 	snop  }
0x6: {  	_ = 	snop  }
0x7: {  	_ = 	snop  }
__scs_overlays_trampoline_lowered:
0x8: {  	[smem:$0x3FA3] =	sst s0  }
0x9: {  	[smem:$0x3FA4] =	sst s1  }
0xa: {  	[smem:$0x3FA5] =	sst s2  }
0xb: {  	[smem:$0x3FA6] =	sst s3  }
0xc: {  	[smem:$0x3FA7] =	sst s4  }
0xd: {  	[smem:$0x3FA8] =	sst s5  }
0xe: {  	[smem:$0x3FA9] =	sst s6  }
0xf: {  	[smem:$0x3FAA] =	sst s7  }
0x10: {  	[smem:$0x3FAB] =	sst s8  }
0x11: {  	[smem:$0x3FAC] =	sst s9;
	s0 =	simm.s32 @!p0 $0x0  }
0x12: {  	s1 =	sld [smem:$0x3F92];
	s0 =	simm.s32 @p0 $0x1  }
0x13: {  	[smem:$0x3FAD] =	sst s0;
	s0 =	simm.s32 @!p1 $0x0  }
0x14: {  	s2 =	sld [smem:$0x3F91];
	s0 =	simm.s32 @p1 $0x1  }
0x15: {  	[smem:$0x3FAE] =	sst s0;
	s0 =	simm.s32 @!p2 $0x0  }
0x16: {  	s3 =	sld [smem:$0x3FDB];
	s0 =	simm.s32 @p2 $0x1  }
0x17: {  	s4 =	simm.s32 $0x1BF5;
	[smem:$0x3FB0] =	sst s0  }
0x18: {  	s0 =	sld [smem:$0x3F93];
	_ =	swait.ge [sflag:s4], $0x0  }
0x19: {  	s7 =	sld [smem:$0x3F94]  }
0x1a: {  	s8 =	sadd.s32 $0xFFFFE003, lr  }
0x1b: {  	s9 =	sadd.s32 $0xFFFFFEF7, lr;
	s5 =	simm.s32 $0xFFFFFFFF;
	p2 =	slt.u32 s8, $0xFFFFF086  }
0x1c: {  	p1 =	slt.u32 s9, $0xF7A;
	s5 =	simm.s32 @!p2 $0x0  }
0x1d: {  	s5 =	simm.s32 @p1 $0x1;
	p0 =	seq.s32 s7, s2  }
0x1e: {  	s7 =	smul.u32 @!p0 $0xF7A, s2;
	p2 =	seq.s32 @!p0 s5, $0x0  }
0x1f: {  	s9 =	smul.u32 $0xF7A, s1;
	s8 =	simm.s32 @!p0 $0x1BF5;
	p2 =	por !p2, p0  }
0x20: {  	[sflag:s8] =	ssyncset.s32 @!p0 $0xFFFFF086;
	s6 =	sadd.s32 @!p0 s3, s7;
	s7 =	simm.s32 @!p0 $0x108  }
0x21: {  	s3 =	sadd.s32 s3, s9;
	s6 =	sadd.s32 @!p0 $0x88, s6;
	s7 =	simm.s32 @p2 $0x1082  }
0x22: {  	[simem:s7], [sflag:s8] =	dma.local @!p0 [hbm:s6], $0xF7A  }
0x23: {  	s9 =	sor.u32 $0xD0000000, s2;
	s6 =	simm.s32 $0x108;
	_ =	swait.ge @!p0 [sflag:s8], $0x0  }
0x24: {  	s3 =	sadd.s32 $0x88, s3;
	s6 =	simm.s32 @!p1 $0x1082;
	[sflag:s4] =	ssyncset.s32 $0xFFFFF086  }
0x25: {  	[simem:s6], [sflag:s4] =	dma.local [hbm:s3], $0xF7A  }
0x26: {  	[smem:$0x3F94] =	sst s1;
	(tag) =	ssettag s2;
	_ =	strace s9  }
0x27: {  	s1 =	sld [smem:$0x3FA4]  }
0x28: {  	s2 =	sld [smem:$0x3FA5]  }
0x29: {  	s4 =	sld [smem:$0x3FA7]  }
0x2a: {  	p0 =	seq.s32 s5, $0x0;
	s5 =	sld [smem:$0x3FA8]  }
0x2b: {  	s6 =	sld [smem:$0x3FA9]  }
0x2c: {  	s7 =	sld [smem:$0x3FAA]  }
0x2d: {  	s3 =	simm.s32 $0x108;
	s8 =	sld [smem:$0x3FAB]  }
0x2e: {  	s3 =	simm.s32 @!p0 $0x1082;
	s9 =	sld [smem:$0x3FAC]  }
0x2f: {  	lr =	sadd.s32 s0, s3;
	s0 =	sld [smem:$0x3FA3]  }
0x30: {  	s3 =	sld [smem:$0x3FA6]  }
0x31: {  	[smem:$0x3FAF] =	sst s10  }
0x32: {  	s10 =	sld [smem:$0x3FAD];
	_ =	sdelay $0x3  }
0x33: {  	p0 =	seq.s32 s10, $0x1;
	s10 =	sld [smem:$0x3FAF];
	_ =	sdelay $0x3  }
0x34: {  	[smem:$0x3FAF] =	sst s10  }
0x35: {  	s10 =	sld [smem:$0x3FAE];
	_ =	sdelay $0x3  }
0x36: {  	p1 =	seq.s32 s10, $0x1;
	s10 =	sld [smem:$0x3FAF];
	_ =	sdelay $0x3  }
0x37: {  	[smem:$0x3FAF] =	sst s10  }
0x38: {  	s10 =	sld [smem:$0x3FB0]  }
0x39: {  	_ = 	snop;
	(pc) =	sbr.ind lr, $3  }
0x3a: {  	_ = 	snop  }
0x3b: {  	_ = 	snop  }
0x3c: {  	p2 =	seq.s32 s10, $0x1;
	s10 =	sld [smem:$0x3FAF]  }
0x3d: {  	_ =	shalt  }
0x3e: {  	_ =	shalt  }
0x3f: {  	_ =	shalt  }
0x40: {  	_ =	shalt  }
0x41: {  	_ =	shalt  }
0x42: {  	_ =	shalt  }
0x43: {  	_ =	shalt  }
0x44: {  	_ =	shalt  }
0x45: {  	_ =	shalt  }
0x46: {  	_ =	shalt  }
0x47: {  	_ =	shalt  }
0x48: {  	_ =	shalt  }
0x49: {  	_ =	shalt  }
0x4a: {  	_ =	shalt  }
0x4b: {  	_ =	shalt  }
0x4c: {  	_ =	shalt  }
0x4d: {  	_ =	shalt  }
0x4e: {  	_ =	shalt  }
0x4f: {  	_ =	shalt  }
0x50: {  	_ =	shalt  }
0x51: {  	_ =	shalt  }
0x52: {  	_ =	shalt  }
0x53: {  	_ =	shalt  }
0x54: {  	_ =	shalt  }
0x55: {  	_ =	shalt  }
0x56: {  	_ =	shalt  }
0x57: {  	_ =	shalt  }
0x58: {  	_ =	shalt  }
0x59: {  	_ =	shalt  }
0x5a: {  	_ =	shalt  }
0x5b: {  	_ =	shalt  }
0x5c: {  	_ =	shalt  }
0x5d: {  	_ =	shalt  }
0x5e: {  	_ =	shalt  }
0x5f: {  	_ =	shalt  }
0x60: {  	_ =	shalt  }
0x61: {  	_ =	shalt  }
0x62: {  	_ =	shalt  }
0x63: {  	_ =	shalt  }
0x64: {  	_ =	shalt  }
0x65: {  	_ =	shalt  }
0x66: {  	_ =	shalt  }
0x67: {  	_ =	shalt  }
0x68: {  	_ =	shalt  }
0x69: {  	_ =	shalt  }
0x6a: {  	_ =	shalt  }
0x6b: {  	_ =	shalt  }
0x6c: {  	_ =	shalt  }
0x6d: {  	_ =	shalt  }
0x6e: {  	_ =	shalt  }
0x6f: {  	_ =	shalt  }
0x70: {  	_ =	shalt  }
0x71: {  	_ =	shalt  }
0x72: {  	_ =	shalt  }
0x73: {  	_ =	shalt  }
0x74: {  	_ =	shalt  }
0x75: {  	_ =	shalt  }
0x76: {  	_ =	shalt  }
0x77: {  	_ =	shalt  }
0x78: {  	_ =	shalt  }
0x79: {  	_ =	shalt  }
0x7a: {  	_ =	shalt  }
0x7b: {  	_ =	shalt  }
0x7c: {  	_ =	shalt  }
0x7d: {  	_ =	shalt  }
0x7e: {  	_ =	shalt  }
0x7f: {  	_ =	shalt  }
0x80: {  	_ =	shalt  }
0x81: {  	_ =	shalt  }
0x82: {  	_ =	shalt  }
0x83: {  	_ =	shalt  }
0x84: {  	_ =	shalt  }
0x85: {  	_ =	shalt  }
0x86: {  	_ =	shalt  }
0x87: {  	_ =	shalt  }
.Lfunc_end0:
.L_simem_size_0:
called_computation_lowered:
.L_overlay_start_0:
0x88: {  	s2 =	sld [smem:$0x3FD9]  }
0x89: {  	s3 =	sld [smem:$0x3FFE];
	_ =	sdelay $0x1  }
0x8a: {  	s1 =	srdreg.scid  }
0x8b: {  	s0 =	sand.u32 $0x1, s1  }
0x8c: {  	s15 =	sshll.u32 s0, $0xA;
	s2 =	sadd.s32 s3, s2  }
0x8d: {  	s2 =	sadd.s32 s2, s15  }
0x8e: {  	[smem:$0x3FBB] =	sst s2  }
0x8f: {  	_ = 	snop  }
0x90: {  	s2 =	sld [smem:$0x3FD0];
	_ =	sdelay $0x2  }
0x91: {  	s4 =	simm.s32 $0xB;
	s16 =	simm.s32 $0x10  }
0x92: {  	[smem:s16], [sflag:s4] =	dma.local [hbm:s2], $0x1  }
0x93: {  	_ =	swait.eq [sflag:s4], $0x1  }
0x94: {  	[sflag:s4] =	ssyncset.done $0x0  }
0x95: {  	s17 =	sld [smem:$0x10];
	[sflag:s4] =	ssyncadd.s32 $0xFFFFFFFF  }
0x96: {  	s18 =	sld [smem:$0x11];
	(tm) =	ssettm $0x1  }
0x97: {  	s19 =	sld [smem:$0x3FFB];
	_ =	sdelay $0x3  }
0x98: {  	_ =	strace s19  }
0x99: {  	s2 =	sld [smem:$0x3FFC];
	_ =	sdelay $0x3  }
0x9a: {  	_ =	strace s2  }
0x9b: {  	s2 =	sld [smem:$0x3FFD];
	_ =	sdelay $0x3  }
0x9c: {  	_ =	strace s2  }
0x9d: {  	_ =	strace $0x8FFFFFFF  }
0x9e: {  	s20 =	sld [smem:$0x3FDB];
	_ =	sdelay $0x1  }
0x9f: {  	s5 =	simm.s32 $_scs_section_size  }
0xa0: {  	s6 =	simm.s32 $_size__tile_overlayer_lowered;
	s7 =	simm.s32 $_tile_overlayer_lowered  }
0xa1: {  	s8 =	simm.s32 $0x1BFF;
	s21 =	sshll.u32 s7, $0x1;
	s5 =	sadd.s32 s5, s20  }
0xa2: {  	s22 =	simm.s32 $0x0;
	s6 =	sshll.u32 s6, $0x1;
	s7 =	sadd.s32 s21, s5  }
0xa3: {  	[timem:s22], [sflag:s8] =	dma.local [hbm:s7], s6  }
0xa4: {  	_ =	swait.ge [sflag:s8], s6  }
0xa5: {  	s6 =	ssub.s32 $0x0, s6;
	[sflag:s8] =	ssyncset.done $0x0  }
0xa6: {  	[sflag:s8] =	ssyncadd.s32 s6;
	_ =	sdelay $0x1  }
0xa7: {  	s23 =	simm.s32 $0x1B8B  }
0xa8: {  	_ =	swait.ge [sflag:s23], $0x1  }
0xa9: {  	[sflag:s23] =	ssyncset.done $0x0  }
0xaa: {  	[sflag:s23] =	ssyncadd.s32 $0xFFFFFFFF  }
0xab: {  	s6 =	sld [smem:$0x0]  }
0xac: {  	s7 =	sand.u32 $0xFFFFFFFE, s1  }
0xad: {  	p0 =	sne.s32 s1, s7  }
0xae: {  	s7 =	sshll.u32 @p0 s7, $0xE  }
0xaf: {  	s7 =	sadd.s32 @p0 $0x11B8D, s7;
	s8 =	sshll.u32 @p0 s6, $0x11  }
0xb0: {  	s7 =	sor.u32 @p0 s8, s7  }
0xb1: {  	[sflag:s7] =	ssyncadd.remote.s32 @p0 $0x1;
	_ =	sdelay $0x1  }
0xb2: {  	s7 =	simm.s32 @p0 $0x1B8D  }
0xb3: {  	_ =	swait.eq @p0 [sflag:s7], $0x1  }
0xb4: {  	[sflag:s7] =	ssyncadd.s32 @p0 $0xFFFFFFFF  }
0xb5: {  	s8 =	sshll.u32 @!p0 s1, $0xE  }
0xb6: {  	s8 =	sor.u32 @!p0 $0x4000, s8;
	s7 =	simm.s32 @!p0 $0x1B8D  }
0xb7: {  	s6 =	sshll.u32 @!p0 s6, $0x11;
	s8 =	sadd.s32 @!p0 $0x11B8D, s8;
	_ =	swait.eq @!p0 [sflag:s7], $0x1  }
0xb8: {  	s6 =	sor.u32 @!p0 s6, s8;
	[sflag:s7] =	ssyncadd.s32 @!p0 $0xFFFFFFFF  }
0xb9: {  	s25 =	simm.s32 $0x1B8E;
	s24 =	sld [smem:$0x3FFE];
	[sflag:s6] =	ssyncadd.remote.s32 @!p0 $0x1  }
0xba: {  	s26 =	simm.s32 $execute0_lowered;
	[smem:$0x3FD2] =	sst s25  }
0xbb: {  	s7 =	sshll.u32 s26, $0x1;
	_ =	strace $0x80000049;
	[dreg:$0x1] =	wrdreg $0xFFFFFFFF  }
0xbc: {  	s28 =	simm.s32 $_size_execute0_lowered;
	s5 =	sadd.s32 s5, s7;
	[dreg:$0x0] =	wrdreg $0x0  }
0xbd: {  	s7 =	sshll.u32 s28, $0x1;
	[dreg:$0x2] =	wrdreg s5  }
0xbe: {  	[dreg:$0x3] =	wrdreg s7  }
0xbf: {  	[dreg:$0x4] =	wrdreg $0xC0  }
0xc0: {  	_ =	task [dreg:s22], $0x5FFFF  }
0xc1: {  	[dreg:$0x1] =	wrdreg $0xFFFFFFFF  }
0xc2: {  	[dreg:$0x0] =	wrdreg $0x60  }
0xc3: {  	[dreg:$0x2] =	wrdreg s24  }
0xc4: {  	[dreg:$0x3] =	wrdreg s17  }
0xc5: {  	[dreg:$0x4] =	wrdreg s18  }
0xc6: {  	[dreg:$0x5] =	wrdreg $0x68000  }
0xc7: {  	[dreg:$0x6] =	wrdreg $0x9  }
0xc8: {  	_ =	task.clear_ibuf [dreg:s22], $0x7FFFF;
	_ =	strace $0x90000049  }
0xc9: {  	s29 =	simm.s32 $0x9;
	_ =	strace $0x8000004B  }
0xca: {  	_ =	swait.ge [sflag:s29], $0x1  }
0xcb: {  	[sflag:s29] =	ssyncadd.s32 $0xFFFFFFFF  }
0xcc: {  	_ =	strace $0x9000004B  }
0xcd: {  	_ =	sfence  }
0xce: {  	s30 =	sld [smem:$0x0];
	_ =	sdelay $0x2  }
0xcf: {  	s31 =	sshll.u32 s1, $0xD;
	s1 =	sshrl.u32 s1, $0x2  }
0xd0: {  	s4 =	sand.u32 $0x4000, s31;
	s1 =	sadd.s32 s1, s30  }
0xd1: {  	s0 =	sor.u32 s4, s0;
	s1 =	sshll.u32 s1, $0x11  }
0xd2: {  	s0 =	sor.u32 s1, s0  }
0xd3: {  	s0 =	sadd.s32 $0x8F2B, s0  }
0xd4: {  	[sflag:s0] =	ssyncadd.remote.s32 $0x1  }
0xd5: {  	_ =	sfence.sel $0xFFFF  }
0xd6: {  	[dreg:$0x0] =	wrdreg $0xFFFFFFFF;
	(pc) =	sbr.abs _section_cstart, $3  }
0xd7: {  	[dreg:$0x1] =	wrdreg $0xFFFFFFFF  }
0xd8: {  	_ =	task.clear_ibuf [dreg:s22], $0x2FFFF;
	_ =	strace $0x9FFFFFFF  }
0xd9: {  	(tm) =	ssettm $0x7FFFFFFF  }
tec
execute0_lowered:
.L_overlay_start_1:
0x0: {  	(tag) =	ssettag $0x1  }
0x1: {  	s6 =	rddreg [dreg:$0x0]  }
0x2: {  	s2 =	rddreg [dreg:$0x1]  }
0x3: {  	s3 =	rddreg [dreg:$0x2];
	s0 =	srdreg.scid  }
0x4: {  	s4 =	rddreg [dreg:$0x3];
	s1 =	stileid.u32  }
0x5: {  	s5 =	simm.s32 $0x0;
	s13 =	simm.s32 $0x64;
	s14 =	simm.s32 $0x0  }
0x6: {  	s7 =	sand.u32 $0x1, s0;
	s0 =	rddreg [dreg:$0x4];
	s10 =	smul.u32 $0x14000, s1  }
0x7: {  	s8 =	sshll.u32 s1, $0x1;
	[smem:$0x7FF] =	sst s5;
	s29 =	smul.u32 $0x50000, s1  }
0x8: {  	s31 =	sshll.u32 s1, $0x6;
	s9 =	smul.u32 $0x140000, s7;
	s8 =	sor.u32 s7, s8  }
0x9: {  	_ =	strace $0x8000004A;
	s7 =	ssub.s32 $0x2, s7;
	s8 =	smul.u32 $0x680, s8  }
0xa: {  	s30 =	sshrl.u32 s7, $0x1;
	s9 =	sadd.s32 s10, s9;
	s10 =	sshrl.u32 s29, $0x2  }
0xb: {  	s11 =	ssub.s32 s7, s30;
	s8 =	sadd.s32 s8, s6;
	s9 =	sshrl.u32 s9, $0x3  }
0xc: {  	s12 =	sadd.s32 s10, s4;
	s10 =	simm.s32 $0x3400;
	s9 =	sadd.s32 s9, s6  }
0xd: {  	s6 =	sadd.s32 $0x4200, s8;
	s8 =	smax.u32 s11, $0x1;
	s11 =	sor.u32 $0x1C01, s31  }
0xe: {  	s12 =	sshrl.u32 s12, $0x3;
	s7 =	sadd.s32 $0x6E200, s9;
	s9 =	simm.s32 $0x1  }
.LBB2_1:
0xf: {  	[tilespmem:s5], [sflag:$0x1] =	stream.linear.gather [hbm4b:s6+s5], $0x3200, $0x38;
	[tilespmem:$0x1A800] =	vst v63  }
0x10: {  	_ =	swait.ge [sflag:s9], $0x3200  }
0x11: {  	[sflag:s9] =	ssyncset.done $0x0  }
0x12: {  	[sflag:s9] =	ssyncadd.s32 $0xFFFFCE00  }
0x13: {  	[tilespmem:s10], [sflag:$0x1] =	stream.linear.gather [hbm4b:s2+s5], $0x3200, $0x38;
	[tilespmem:$0x1A800] =	vst v63  }
0x14: {  	_ =	swait.ge [sflag:s9], $0x3200  }
0x15: {  	[sflag:s9] =	ssyncset.done $0x0  }
0x16: {  	[sflag:s9] =	ssyncadd.s32 $0xFFFFCE00  }
0x17: {  	[spmem:s12], [sflag:s11] =	dma.local [hbm:s3], $0x2800  }
0x18: {  	_ =	swait.ge [sflag:s9], $0x2800  }
0x19: {  	[sflag:s9] =	ssyncset.done $0x0  }
0x1a: {  	[sflag:s9] =	ssyncadd.s32 $0xFFFFD800  }
0x1b: {  	s15 =	simm.s32 $0x0;
	[bflag:$0x0] =	sbarrier.arrive $0xFFFF  }
0x1c: {  	[spmem:s4] =	stream.indirect.scatter.add.f32 [tilespmem:s10], [sflag:$0x1], $0x80, s15, s13, $0xb8;
	[tilespmem:$0x1A800] =	vst v63  }
0x1d: {  	_ =	swait.ge [sflag:s9], $0x3200  }
0x1e: {  	s15 =	simm.s32 $0x200;
	[sflag:s9] =	ssyncset.done $0x0  }
.LBB2_2:
0x1f: {  	s16 =	sshra.s32 s15, $0x2;
	[sflag:s9] =	ssyncadd.s32 $0xFFFFCE00;
	p0 =	sne.s32 s15, $0xC600  }
0x20: {  	[spmem:s4] =	stream.indirect.scatter.add.f32 [tilespmem:s10], [sflag:$0x1], $0x80, s16, s13, $0xb8;
	[tilespmem:$0x1A800] =	vst v63  }
.Ltmp0:
0x21: {  	_ = 	snop;
	(pc) =	sbr.rel @p0 .LBB2_2-.Ltmp0, $4  }
0x22: {  	_ = 	snop  }
0x23: {  	s15 =	sadd.s32 $0x200, s15  }
0x24: {  	_ =	swait.ge [sflag:s9], $0x3200  }
0x25: {  	[sflag:s9] =	ssyncset.done $0x0  }
0x26: {  	s14 =	sadd.s32 $0x1, s14  }
0x27: {  	[sflag:s9] =	ssyncadd.s32 $0xFFFFCE00;
	p0 =	sne.s32 s14, s8  }
.Ltmp1:
0x28: {  	[bflag:$0x0] =	sbarrier.arrive $0xFFFF;
	(pc) =	sbr.rel @p0 .LBB2_1-.Ltmp1, $4  }
0x29: {  	[hbm:s7], [sflag:s11] =	dma.local [spmem:s12], $0x2800  }
0x2a: {  	_ =	swait.ge [sflag:s9], $0x2800  }
0x2b: {  	[sflag:s9] =	ssyncset.done $0x0  }
0x2c: {  	[sflag:s9] =	ssyncadd.s32 $0xFFFFD800  }
0x2d: {  	_ =	sfence.sel $0x180000  }
0x2e: {  	[bflag:$0x0] =	sbarrier.arrive $0xFFFF  }
0x2f: {  	p0 =	sne.s32 s1, $0x0;
	_ =	strace $0x9000004A  }
0x30: {  	s0 =	sadd.s32 @!p0 $0x100000, s0;
	[bflag:$0x2] =	sbarrier.arrive $0xFFFF  }
0x31: {  	[sflag:s0] =	ssyncadd.tile.s32 @!p0 $0x1;
	_ =	shalt  }
.Lfunc_end2:
_tile_overlayer_lowered:
.L_overlay_start_2:
0x32: {  	(tag) =	ssettag $0x2  }
0x33: {  	s0 =	rddreg [dreg:$0x0];
	s2 =	stileid.u32  }
0x34: {  	s1 =	rddreg [dreg:$0x1];
	p0 =	sne.s32 s2, $0x0  }
0x35: {  	s3 =	rddreg [dreg:$0x2];
	[bflag:$0x3] =	sbarrier.arrive $0xFFFF;
	s2 =	simm.s32 @!p0 $0x1C01  }
0x36: {  	[timem:s3], [sflag:s2] =	dma.local @!p0 [hbm:s0], s1  }
0x37: {  	s0 =	simm.s32 @!p0 $0x1  }
0x38: {  	_ =	swait.ge @!p0 [sflag:s0], s1  }
0x39: {  	s1 =	ssub.s32 @!p0 $0x0, s1;
	[sflag:s0] =	ssyncset.done @!p0 $0x0  }
0x3a: {  	[sflag:s0] =	ssyncadd.s32 @!p0 s1  }
0x3b: {  	[bflag:$0x3] =	sbarrier.arrive $0xFFFF  }
0x3c: {  	_ =	shalt  }

</sc_bundles>
